<compile_context>
chip_gen: v7x
topology: tpu7x:2x2x1
jax: 0.10.2.dev20260603
libtpu: 0.0.44.dev20260713+nightly
codegen_flags: <defaults>
</compile_context>

<pallas_src>
import functools

import jax
import jax.numpy as jnp
from jax import lax
from jax.experimental import pallas as pl
from jax.experimental.pallas import tpu as pltpu
from jax.experimental.pallas import tpu_sc as plsc

NNODES = 10000
NP = 10112
NEDGES = 320000
D = 128
G = 64
NC, NS = 2, 16
NW = NC * NS
EPT = NEDGES // NW
RPT = NP // NS
CHE = 128
NCHUNK_A = 79
SROWS = NCHUNK_A
DROWS = NCHUNK_A

_mesh = plsc.VectorSubcoreMesh(
    core_axis_name="c", subcore_axis_name="s", num_cores=NC, num_subcores=NS
)


def _deg_body(dstp, ones_r, zeros_r, out, dst_idx, ones_v, acc):
    c = lax.axis_index("c")
    s = lax.axis_index("s")
    wid = c * NS + s
    pltpu.sync_copy(zeros_r, acc.at[pl.ds(s * RPT, RPT)])
    pltpu.sync_copy(ones_r, ones_v)
    pltpu.sync_copy(dstp.at[wid], dst_idx)
    plsc.subcore_barrier()

    def body(j, carry):
        pltpu.sync_copy(ones_v, acc.at[dst_idx.at[j]], add=True)
        return carry

    lax.fori_loop(0, NCHUNK_A, body, 0)
    plsc.subcore_barrier()
    pltpu.sync_copy(acc.at[pl.ds(s * RPT, RPT)],
                    out.at[pl.ds(c * NP + s * RPT, RPT)])


def _agg_body(g, srcp, dstp, out, src_idx, dst_idx, rows, acc, sem):
    c = lax.axis_index("c")
    s = lax.axis_index("s")
    wid = c * NS + s
    pltpu.sync_copy(g.at[pl.ds(s * RPT, RPT)], acc.at[pl.ds(s * RPT, RPT)])
    pltpu.sync_copy(srcp.at[wid], src_idx)
    pltpu.sync_copy(dstp.at[wid], dst_idx)
    plsc.subcore_barrier()

    def body(j, carry):
        pltpu.async_copy(g.at[src_idx.at[j]], rows, sem).wait()
        pltpu.sync_copy(rows, acc.at[dst_idx.at[j]], add=True)
        return carry

    lax.fori_loop(0, NCHUNK_A, body, 0)
    plsc.subcore_barrier()
    pltpu.sync_copy(acc.at[pl.ds(s * RPT, RPT)],
                    out.at[pl.ds(c * NP + s * RPT, RPT)])


def _build_deg_kernel(interpret=False):
    return pl.kernel(
        _deg_body,
        out_type=jax.ShapeDtypeStruct((NC * NP, D), jnp.float32),
        mesh=_mesh,
        scratch_types=[
            pltpu.VMEM((DROWS, 128), jnp.int32),
            pltpu.VMEM((CHE, D), jnp.float32),
            pltpu.VMEM_SHARED((NP, D), jnp.float32),
        ],
        interpret=interpret,
    )


def _build_agg_kernel(interpret=False):
    return pl.kernel(
        _agg_body,
        out_type=jax.ShapeDtypeStruct((NC * NP, D), jnp.float32),
        mesh=_mesh,
        scratch_types=[
            pltpu.VMEM((SROWS, 128), jnp.int32),
            pltpu.VMEM((DROWS, 128), jnp.int32),
            pltpu.VMEM((CHE, D), jnp.float32),
            pltpu.VMEM_SHARED((NP, D), jnp.float32),
            pltpu.SemaphoreType.DMA,
        ],
        interpret=interpret,
    )


_deg_kernel = _build_deg_kernel()
_agg_kernel = _build_agg_kernel()


def _prep_body(x_ref, degp_ref, w1_ref, g_ref, dis_ref):
    deg = degp_ref[0:NP, 0:1] + degp_ref[NP:2 * NP, 0:1] + 1.0
    dis = lax.rsqrt(deg)
    y = jnp.dot(x_ref[...], w1_ref[...], preferred_element_type=jnp.float32)
    g_ref[...] = y * dis
    dis_ref[...] = dis


_prep = pl.pallas_call(
    _prep_body,
    out_shape=[
        jax.ShapeDtypeStruct((NP, D), jnp.float32),
        jax.ShapeDtypeStruct((NP, 1), jnp.float32),
    ],
)


def _mid_body(p_ref, g_ref, dis_ref, b_ref, gamma_ref, beta_ref, w2_ref,
              g2_ref):
    dis = dis_ref[...]
    sarr = (p_ref[0:NP, :] + p_ref[NP:2 * NP, :] - g_ref[...]) * dis + b_ref[...]
    sv = sarr[0:NNODES, :]
    mean = jnp.mean(sv, axis=0, keepdims=True)
    var = jnp.mean(sv * sv, axis=0, keepdims=True) - mean * mean
    h = jnp.maximum(
        (sarr - mean) * lax.rsqrt(var + 1e-5) * gamma_ref[...] + beta_ref[...],
        0.0)
    g2_ref[...] = jnp.dot(
        h, w2_ref[...], preferred_element_type=jnp.float32) * dis


_mid = pl.pallas_call(
    _mid_body,
    out_shape=[jax.ShapeDtypeStruct((NP, D), jnp.float32)],
)


def _final_body(q_ref, g2_ref, dis_ref, b_ref, gamma_ref, beta_ref, batch_ref,
                wlin_ref, blin_ref, out_ref):
    dis = dis_ref[...]
    sarr = (q_ref[0:NP, :] + q_ref[NP:2 * NP, :] - g2_ref[...]) * dis + b_ref[...]
    sv = sarr[0:NNODES, :]
    mean = jnp.mean(sv, axis=0, keepdims=True)
    var = jnp.mean(sv * sv, axis=0, keepdims=True) - mean * mean
    h = jnp.maximum(
        (sarr - mean) * lax.rsqrt(var + 1e-5) * gamma_ref[...] + beta_ref[...],
        0.0)
    hv = h[0:NNODES, :]
    gids = lax.broadcasted_iota(jnp.int32, (G, NNODES), 0)
    onehot_t = (gids == batch_ref[...]).astype(jnp.float32)
    sums = jnp.dot(onehot_t, hv, preferred_element_type=jnp.float32)
    counts = jnp.sum(onehot_t, axis=1, keepdims=True)
    pooled = sums / jnp.maximum(counts, 1.0)
    out_ref[...] = jnp.dot(
        pooled, wlin_ref[...], preferred_element_type=jnp.float32) + blin_ref[...]


_final = pl.pallas_call(
    _final_body,
    out_shape=[jax.ShapeDtypeStruct((G, D), jnp.float32)],
)


def kernel(x, edge_index, batch, W1, b1, W2, b2, gamma, beta, Wlin, blin):
    f32 = jnp.float32
    src = edge_index[0].reshape(NW, EPT)
    dst = edge_index[1].reshape(NW, EPT)
    srcp = jnp.pad(src, ((0, 0), (0, SROWS * 128 - EPT))).reshape(
        NW, SROWS, 128)
    dstp = jnp.pad(dst, ((0, 0), (0, DROWS * 128 - EPT)),
                   constant_values=NNODES).reshape(NW, DROWS, 128)
    ones_r = jnp.ones((CHE, D), f32)
    zeros_r = jnp.zeros((RPT, D), f32)

    deg_p = _deg_kernel(dstp, ones_r, zeros_r)
    xpad = jnp.pad(x, ((0, NP - NNODES), (0, 0)))
    g1, dis = _prep(xpad, deg_p, W1)
    p = _agg_kernel(g1, srcp, dstp)
    (g2,) = _mid(p, g1, dis, b1.reshape(1, D), gamma.reshape(1, D),
                 beta.reshape(1, D), W2)
    q = _agg_kernel(g2, srcp, dstp)
    (out,) = _final(q, g2, dis, b2.reshape(1, D), gamma.reshape(1, D),
                    beta.reshape(1, D), batch.reshape(1, NNODES), Wlin,
                    blin.reshape(1, D))
    return out

# --- scband reference (transcript-rebuilt; emitter-appended) ---
"""Pipeline reference for scband-gcn-29850022707326 (READ-ONLY COPY).

The authoritative reference and input builder live on the scoring server;
editing this copy changes nothing except your own understanding.
"""

import jax, jax.numpy as jnp
import numpy as np

N = 10000
E = 320000
D = 128
NUM_GRAPHS = 64


def setup_inputs(seed: int = 0) -> dict:
    key = jax.random.key(seed)
    ks = jax.random.split(key, 12)
    x = jax.random.normal(ks[0], (N, D), dtype=jnp.float32)
    edge_index = jax.random.randint(ks[1], (2, E), 0, N, dtype=jnp.int32)
    batch = jnp.sort(jax.random.randint(ks[2], (N,), 0, NUM_GRAPHS, dtype=jnp.int32))
    s = 1.0 / np.sqrt(D)
    W1 = jax.random.normal(ks[3], (D, D), dtype=jnp.float32) * s
    b1 = jnp.zeros((D,), dtype=jnp.float32)
    W2 = jax.random.normal(ks[4], (D, D), dtype=jnp.float32) * s
    b2 = jnp.zeros((D,), dtype=jnp.float32)
    gamma = jnp.ones((D,), dtype=jnp.float32)
    beta = jnp.zeros((D,), dtype=jnp.float32)
    Wlin = jax.random.normal(ks[5], (D, D), dtype=jnp.float32) * s
    blin = jnp.zeros((D,), dtype=jnp.float32)
    return {"x": x, "edge_index": edge_index, "batch": batch, "W1": W1, "b1": b1,
            "W2": W2, "b2": b2, "gamma": gamma, "beta": beta, "Wlin": Wlin, "blin": blin}


def gcn_conv(x, edge_index, W, b):
    # PyG GCNConv: linear transform, add self loops, symmetric normalization, scatter-add aggregation
    h = x @ W
    loop = jnp.arange(N, dtype=edge_index.dtype)
    src = jnp.concatenate([edge_index[0], loop])
    dst = jnp.concatenate([edge_index[1], loop])
    ew = jnp.ones(src.shape[0], dtype=h.dtype)
    deg = jnp.zeros((N,), dtype=h.dtype).at[dst].add(ew)
    dis = jnp.where(deg > 0, jax.lax.rsqrt(jnp.maximum(deg, 1e-12)), 0.0)
    norm = dis[src] * dis[dst]
    msg = h[src] * norm[:, None]
    out = jnp.zeros_like(h).at[dst].add(msg)
    return out + b


def batch_norm(x, gamma, beta):
    mean = jnp.mean(x, axis=0)
    var = jnp.var(x, axis=0)
    return (x - mean) * jax.lax.rsqrt(var + 1e-5) * gamma + beta


def reference(x, edge_index, batch, W1, b1, W2, b2, gamma, beta, Wlin, blin):
    h = gcn_conv(x, edge_index, W1, b1)
    h = jax.nn.relu(batch_norm(h, gamma, beta))
    h = gcn_conv(h, edge_index, W2, b2)
    h = jax.nn.relu(batch_norm(h, gamma, beta))
    counts = jnp.zeros((NUM_GRAPHS,), dtype=h.dtype).at[batch].add(1.0)
    sums = jax.ops.segment_sum(h, batch, num_segments=NUM_GRAPHS)
    pooled = sums / jnp.maximum(counts, 1.0)[:, None]
    return pooled @ Wlin + blin

if __name__ == "__main__":
    import jax
    _d = setup_inputs()
    print(jax.jit(kernel)(*tuple(_d.values())))

</pallas_src>

<mosaic_0001>
#map = affine_map<(d0, d1) -> (0, 0, 0)>
#map1 = affine_map<(d0, d1) -> (0, 0)>
module attributes {stable_mosaic.version = 14 : i64} {
  func.func @_deg_body(%arg0: i32, %arg1: i32, %arg2: memref<32x79x128xi32, #tpu.memory_space<hbm>>, %arg3: memref<128x128xf32, #tpu.memory_space<hbm>>, %arg4: memref<632x128xf32, #tpu.memory_space<hbm>>, %arg5: memref<20224x128xf32, #tpu.memory_space<hbm>>, %arg6: memref<79x128xi32, #tpu.memory_space<vmem>>, %arg7: memref<128x128xf32, #tpu.memory_space<vmem>>, %arg8: memref<10112x128xf32, #tpu.memory_space<vmem_shared>>) attributes {dimension_semantics = [#tpu.dimension_semantics<core_parallel>, #tpu.dimension_semantics<subcore_parallel>], iteration_bounds = array<i64: 2, 16>, scalar_prefetch = 0 : i64, scratch_operands = 3 : i64, tpu.core_type = #tpu.core_type<sc_vector_subcore>, window_params = [{transform_indices = #map}, {transform_indices = #map1}, {transform_indices = #map1}, {transform_indices = #map1}]} {
    %mul3A = arith.constant 16 : i32
    %mul3A_0 = arith.muli %arg0, %mul3A : i32
    %add3A = arith.addi %mul3A_0, %arg1 : i32
    %mul3A_1 = arith.constant 632 : i32
    %mul3A_2 = arith.muli %arg1, %mul3A_1 : i32
    "tpu.region"() ({
      %run_scoped3A = tpu.sem_alloc : memref<!tpu.dma_semaphore, #tpu.memory_space<semaphore_mem>>
      %dma_start3A = arith.constant 0 : i32
      %dma_start3A_16 = tpu.memref_slice %arg8[%mul3A_2, %dma_start3A] : memref<10112x128xf32, #tpu.memory_space<vmem_shared>> -> memref<632x128xf32, #tpu.memory_space<vmem_shared>>
      tpu.enqueue_dma source(%arg4 : memref<632x128xf32, #tpu.memory_space<hbm>>) target(%dma_start3A_16 : memref<632x128xf32, #tpu.memory_space<vmem_shared>>) target_semaphore(%run_scoped3A : memref<!tpu.dma_semaphore, #tpu.memory_space<semaphore_mem>>)
      %dma_wait3A = arith.constant 0 : i32
      %dma_wait3A_17 = tpu.memref_slice %arg8[%mul3A_2, %dma_wait3A] : memref<10112x128xf32, #tpu.memory_space<vmem_shared>> -> memref<632x128xf32, #tpu.memory_space<vmem_shared>>
      tpu.wait_dma2 semaphore(%run_scoped3A : memref<!tpu.dma_semaphore, #tpu.memory_space<semaphore_mem>>) src(%arg4 : memref<632x128xf32, #tpu.memory_space<hbm>>) dst(%dma_wait3A_17 : memref<632x128xf32, #tpu.memory_space<vmem_shared>>)
      tpu.yield
    }) : () -> ()
    "tpu.region"() ({
      %run_scoped3A = tpu.sem_alloc : memref<!tpu.dma_semaphore, #tpu.memory_space<semaphore_mem>>
      tpu.enqueue_dma source(%arg3 : memref<128x128xf32, #tpu.memory_space<hbm>>) target(%arg7 : memref<128x128xf32, #tpu.memory_space<vmem>>) target_semaphore(%run_scoped3A : memref<!tpu.dma_semaphore, #tpu.memory_space<semaphore_mem>>)
      tpu.wait_dma2 semaphore(%run_scoped3A : memref<!tpu.dma_semaphore, #tpu.memory_space<semaphore_mem>>) src(%arg3 : memref<128x128xf32, #tpu.memory_space<hbm>>) dst(%arg7 : memref<128x128xf32, #tpu.memory_space<vmem>>)
      tpu.yield
    }) : () -> ()
    "tpu.region"() ({
      %run_scoped3A = tpu.sem_alloc : memref<!tpu.dma_semaphore, #tpu.memory_space<semaphore_mem>>
      %dma_start3A = arith.constant 0 : i32
      %dma_start3A_16 = arith.constant 0 : i32
      %dma_start3A_17 = tpu.memref_slice %arg2[%add3A, %dma_start3A, %dma_start3A_16] : memref<32x79x128xi32, #tpu.memory_space<hbm>> -> memref<1x79x128xi32, #tpu.memory_space<hbm>>
      %dma_start3A_18 = tpu.memref_squeeze %dma_start3A_17 : memref<1x79x128xi32, #tpu.memory_space<hbm>> -> memref<79x128xi32, #tpu.memory_space<hbm>>
      %dma_start3A_19 = arith.constant 0 : i32
      %dma_start3A_20 = arith.constant 0 : i32
      %dma_start3A_21 = tpu.memref_slice %arg2[%add3A, %dma_start3A_19, %dma_start3A_20] : memref<32x79x128xi32, #tpu.memory_space<hbm>> -> memref<1x79x128xi32, #tpu.memory_space<hbm>>
      %dma_start3A_22 = tpu.memref_squeeze %dma_start3A_21 : memref<1x79x128xi32, #tpu.memory_space<hbm>> -> memref<79x128xi32, #tpu.memory_space<hbm>>
      tpu.enqueue_dma source(%dma_start3A_22 : memref<79x128xi32, #tpu.memory_space<hbm>>) target(%arg6 : memref<79x128xi32, #tpu.memory_space<vmem>>) target_semaphore(%run_scoped3A : memref<!tpu.dma_semaphore, #tpu.memory_space<semaphore_mem>>)
      %dma_wait3A = arith.constant 0 : i32
      %dma_wait3A_23 = arith.constant 0 : i32
      %dma_wait3A_24 = tpu.memref_slice %arg2[%add3A, %dma_wait3A, %dma_wait3A_23] : memref<32x79x128xi32, #tpu.memory_space<hbm>> -> memref<1x79x128xi32, #tpu.memory_space<hbm>>
      %dma_wait3A_25 = tpu.memref_squeeze %dma_wait3A_24 : memref<1x79x128xi32, #tpu.memory_space<hbm>> -> memref<79x128xi32, #tpu.memory_space<hbm>>
      %dma_wait3A_26 = arith.constant 0 : i32
      %dma_wait3A_27 = arith.constant 0 : i32
      %dma_wait3A_28 = tpu.memref_slice %arg2[%add3A, %dma_wait3A_26, %dma_wait3A_27] : memref<32x79x128xi32, #tpu.memory_space<hbm>> -> memref<1x79x128xi32, #tpu.memory_space<hbm>>
      %dma_wait3A_29 = tpu.memref_squeeze %dma_wait3A_28 : memref<1x79x128xi32, #tpu.memory_space<hbm>> -> memref<79x128xi32, #tpu.memory_space<hbm>>
      tpu.wait_dma2 semaphore(%run_scoped3A : memref<!tpu.dma_semaphore, #tpu.memory_space<semaphore_mem>>) src(%dma_wait3A_29 : memref<79x128xi32, #tpu.memory_space<hbm>>) dst(%arg6 : memref<79x128xi32, #tpu.memory_space<vmem>>)
      tpu.yield
    }) : () -> ()
    %barrier3A = arith.constant 0 : index
    tpu.barrier barrier_id(%barrier3A)
    %scan3A = arith.constant 0 : i32
    %scan3A_3 = arith.constant 0 : i32
    %scan3A_4 = arith.constant 79 : i32
    %scan3A_5 = arith.addi %scan3A_3, %scan3A_4 : i32
    %scan3A_6 = arith.constant 1 : i32
    scf.for %scan3A_16 = %scan3A_3 to %scan3A_5 step %scan3A_6  : i32 {
      "tpu.region"() ({
        %run_scoped3A = tpu.sem_alloc : memref<!tpu.dma_semaphore, #tpu.memory_space<semaphore_mem>>
        %dma_start3A = arith.constant 0 : i32
        %dma_start3A_17 = tpu.memref_slice %arg6[%scan3A_16, %dma_start3A] : memref<79x128xi32, #tpu.memory_space<vmem>> -> memref<1x128xi32, #tpu.memory_space<vmem>>
        %dma_start3A_18 = tpu.memref_squeeze %dma_start3A_17 : memref<1x128xi32, #tpu.memory_space<vmem>> -> memref<128xi32, #tpu.memory_space<vmem>>
        %dma_start3A_19 = arith.constant 0 : i32
        %dma_start3A_20 = arith.constant 0 : i32
        %dma_start3A_21 = tpu.memref_slice %arg8[%dma_start3A_19, %dma_start3A_20] : memref<10112x128xf32, #tpu.memory_space<vmem_shared>> -> memref<10112x128xf32, #tpu.memory_space<vmem_shared>>
        tpu.enqueue_indirect_dma source(%arg7 : memref<128x128xf32, #tpu.memory_space<vmem>>) target(%dma_start3A_21 : memref<10112x128xf32, #tpu.memory_space<vmem_shared>>) offsets(%dma_start3A_18 : memref<128xi32, #tpu.memory_space<vmem>>) semaphore(%run_scoped3A : memref<!tpu.dma_semaphore, #tpu.memory_space<semaphore_mem>>) {add = true}
        %dma_wait3A = arith.constant 0 : i32
        %dma_wait3A_22 = tpu.memref_slice %arg6[%scan3A_16, %dma_wait3A] : memref<79x128xi32, #tpu.memory_space<vmem>> -> memref<1x128xi32, #tpu.memory_space<vmem>>
        %dma_wait3A_23 = tpu.memref_squeeze %dma_wait3A_22 : memref<1x128xi32, #tpu.memory_space<vmem>> -> memref<128xi32, #tpu.memory_space<vmem>>
        %dma_wait3A_24 = arith.constant 0 : i32
        %dma_wait3A_25 = arith.constant 0 : i32
        %dma_wait3A_26 = tpu.memref_slice %arg8[%dma_wait3A_24, %dma_wait3A_25] : memref<10112x128xf32, #tpu.memory_space<vmem_shared>> -> memref<10112x128xf32, #tpu.memory_space<vmem_shared>>
        tpu.wait_indirect_dma semaphore(%run_scoped3A : memref<!tpu.dma_semaphore, #tpu.memory_space<semaphore_mem>>) src(%arg7 : memref<128x128xf32, #tpu.memory_space<vmem>>) dst(%dma_wait3A_26 : memref<10112x128xf32, #tpu.memory_space<vmem_shared>>)
        tpu.yield
      }) : () -> ()
    }
    %scan3A_7 = arith.constant 79 : i32
    %barrier3A_8 = arith.constant 0 : index
    tpu.barrier barrier_id(%barrier3A_8)
    %mul3A_9 = arith.constant 632 : i32
    %mul3A_10 = arith.muli %arg1, %mul3A_9 : i32
    %mul3A_11 = arith.constant 10112 : i32
    %mul3A_12 = arith.muli %arg0, %mul3A_11 : i32
    %mul3A_13 = arith.constant 632 : i32
    %mul3A_14 = arith.muli %arg1, %mul3A_13 : i32
    %add3A_15 = arith.addi %mul3A_12, %mul3A_14 : i32
    "tpu.region"() ({
      %run_scoped3A = tpu.sem_alloc : memref<!tpu.dma_semaphore, #tpu.memory_space<semaphore_mem>>
      %dma_start3A = arith.constant 0 : i32
      %dma_start3A_16 = tpu.memref_slice %arg5[%add3A_15, %dma_start3A] : memref<20224x128xf32, #tpu.memory_space<hbm>> -> memref<632x128xf32, #tpu.memory_space<hbm>>
      %dma_start3A_17 = arith.constant 0 : i32
      %dma_start3A_18 = tpu.memref_slice %arg8[%mul3A_10, %dma_start3A_17] : memref<10112x128xf32, #tpu.memory_space<vmem_shared>> -> memref<632x128xf32, #tpu.memory_space<vmem_shared>>
      tpu.enqueue_dma source(%dma_start3A_18 : memref<632x128xf32, #tpu.memory_space<vmem_shared>>) target(%dma_start3A_16 : memref<632x128xf32, #tpu.memory_space<hbm>>) target_semaphore(%run_scoped3A : memref<!tpu.dma_semaphore, #tpu.memory_space<semaphore_mem>>)
      %dma_wait3A = arith.constant 0 : i32
      %dma_wait3A_19 = tpu.memref_slice %arg5[%add3A_15, %dma_wait3A] : memref<20224x128xf32, #tpu.memory_space<hbm>> -> memref<632x128xf32, #tpu.memory_space<hbm>>
      %dma_wait3A_20 = arith.constant 0 : i32
      %dma_wait3A_21 = tpu.memref_slice %arg8[%mul3A_10, %dma_wait3A_20] : memref<10112x128xf32, #tpu.memory_space<vmem_shared>> -> memref<632x128xf32, #tpu.memory_space<vmem_shared>>
      tpu.wait_dma2 semaphore(%run_scoped3A : memref<!tpu.dma_semaphore, #tpu.memory_space<semaphore_mem>>) src(%dma_wait3A_21 : memref<632x128xf32, #tpu.memory_space<vmem_shared>>) dst(%dma_wait3A_19 : memref<632x128xf32, #tpu.memory_space<hbm>>)
      tpu.yield
    }) : () -> ()
    return
  }
}

#map = affine_map<(d0, d1) -> (0, 0)>
#map1 = affine_map<(d0, d1) -> (0, 0, 0)>
module attributes {stable_mosaic.version = 14 : i64} {
  func.func @_agg_body(%arg0: i32, %arg1: i32, %arg2: memref<10112x128xf32, #tpu.memory_space<hbm>>, %arg3: memref<32x79x128xi32, #tpu.memory_space<hbm>>, %arg4: memref<32x79x128xi32, #tpu.memory_space<hbm>>, %arg5: memref<20224x128xf32, #tpu.memory_space<hbm>>, %arg6: memref<79x128xi32, #tpu.memory_space<vmem>>, %arg7: memref<79x128xi32, #tpu.memory_space<vmem>>, %arg8: memref<128x128xf32, #tpu.memory_space<vmem>>, %arg9: memref<10112x128xf32, #tpu.memory_space<vmem_shared>>, %arg10: memref<!tpu.dma_semaphore, #tpu.memory_space<semaphore_mem>>) attributes {dimension_semantics = [#tpu.dimension_semantics<core_parallel>, #tpu.dimension_semantics<subcore_parallel>], iteration_bounds = array<i64: 2, 16>, scalar_prefetch = 0 : i64, scratch_operands = 5 : i64, tpu.core_type = #tpu.core_type<sc_vector_subcore>, window_params = [{transform_indices = #map}, {transform_indices = #map1}, {transform_indices = #map1}, {transform_indices = #map}]} {
    %mul3A = arith.constant 16 : i32
    %mul3A_0 = arith.muli %arg0, %mul3A : i32
    %add3A = arith.addi %mul3A_0, %arg1 : i32
    %mul3A_1 = arith.constant 632 : i32
    %mul3A_2 = arith.muli %arg1, %mul3A_1 : i32
    %mul3A_3 = arith.constant 632 : i32
    %mul3A_4 = arith.muli %arg1, %mul3A_3 : i32
    "tpu.region"() ({
      %run_scoped3A = tpu.sem_alloc : memref<!tpu.dma_semaphore, #tpu.memory_space<semaphore_mem>>
      %dma_start3A = arith.constant 0 : i32
      %dma_start3A_18 = tpu.memref_slice %arg9[%mul3A_4, %dma_start3A] : memref<10112x128xf32, #tpu.memory_space<vmem_shared>> -> memref<632x128xf32, #tpu.memory_space<vmem_shared>>
      %dma_start3A_19 = arith.constant 0 : i32
      %dma_start3A_20 = tpu.memref_slice %arg2[%mul3A_2, %dma_start3A_19] : memref<10112x128xf32, #tpu.memory_space<hbm>> -> memref<632x128xf32, #tpu.memory_space<hbm>>
      tpu.enqueue_dma source(%dma_start3A_20 : memref<632x128xf32, #tpu.memory_space<hbm>>) target(%dma_start3A_18 : memref<632x128xf32, #tpu.memory_space<vmem_shared>>) target_semaphore(%run_scoped3A : memref<!tpu.dma_semaphore, #tpu.memory_space<semaphore_mem>>)
      %dma_wait3A = arith.constant 0 : i32
      %dma_wait3A_21 = tpu.memref_slice %arg9[%mul3A_4, %dma_wait3A] : memref<10112x128xf32, #tpu.memory_space<vmem_shared>> -> memref<632x128xf32, #tpu.memory_space<vmem_shared>>
      %dma_wait3A_22 = arith.constant 0 : i32
      %dma_wait3A_23 = tpu.memref_slice %arg2[%mul3A_2, %dma_wait3A_22] : memref<10112x128xf32, #tpu.memory_space<hbm>> -> memref<632x128xf32, #tpu.memory_space<hbm>>
      tpu.wait_dma2 semaphore(%run_scoped3A : memref<!tpu.dma_semaphore, #tpu.memory_space<semaphore_mem>>) src(%dma_wait3A_23 : memref<632x128xf32, #tpu.memory_space<hbm>>) dst(%dma_wait3A_21 : memref<632x128xf32, #tpu.memory_space<vmem_shared>>)
      tpu.yield
    }) : () -> ()
    "tpu.region"() ({
      %run_scoped3A = tpu.sem_alloc : memref<!tpu.dma_semaphore, #tpu.memory_space<semaphore_mem>>
      %dma_start3A = arith.constant 0 : i32
      %dma_start3A_18 = arith.constant 0 : i32
      %dma_start3A_19 = tpu.memref_slice %arg3[%add3A, %dma_start3A, %dma_start3A_18] : memref<32x79x128xi32, #tpu.memory_space<hbm>> -> memref<1x79x128xi32, #tpu.memory_space<hbm>>
      %dma_start3A_20 = tpu.memref_squeeze %dma_start3A_19 : memref<1x79x128xi32, #tpu.memory_space<hbm>> -> memref<79x128xi32, #tpu.memory_space<hbm>>
      %dma_start3A_21 = arith.constant 0 : i32
      %dma_start3A_22 = arith.constant 0 : i32
      %dma_start3A_23 = tpu.memref_slice %arg3[%add3A, %dma_start3A_21, %dma_start3A_22] : memref<32x79x128xi32, #tpu.memory_space<hbm>> -> memref<1x79x128xi32, #tpu.memory_space<hbm>>
      %dma_start3A_24 = tpu.memref_squeeze %dma_start3A_23 : memref<1x79x128xi32, #tpu.memory_space<hbm>> -> memref<79x128xi32, #tpu.memory_space<hbm>>
      tpu.enqueue_dma source(%dma_start3A_24 : memref<79x128xi32, #tpu.memory_space<hbm>>) target(%arg6 : memref<79x128xi32, #tpu.memory_space<vmem>>) target_semaphore(%run_scoped3A : memref<!tpu.dma_semaphore, #tpu.memory_space<semaphore_mem>>)
      %dma_wait3A = arith.constant 0 : i32
      %dma_wait3A_25 = arith.constant 0 : i32
      %dma_wait3A_26 = tpu.memref_slice %arg3[%add3A, %dma_wait3A, %dma_wait3A_25] : memref<32x79x128xi32, #tpu.memory_space<hbm>> -> memref<1x79x128xi32, #tpu.memory_space<hbm>>
      %dma_wait3A_27 = tpu.memref_squeeze %dma_wait3A_26 : memref<1x79x128xi32, #tpu.memory_space<hbm>> -> memref<79x128xi32, #tpu.memory_space<hbm>>
      %dma_wait3A_28 = arith.constant 0 : i32
      %dma_wait3A_29 = arith.constant 0 : i32
      %dma_wait3A_30 = tpu.memref_slice %arg3[%add3A, %dma_wait3A_28, %dma_wait3A_29] : memref<32x79x128xi32, #tpu.memory_space<hbm>> -> memref<1x79x128xi32, #tpu.memory_space<hbm>>
      %dma_wait3A_31 = tpu.memref_squeeze %dma_wait3A_30 : memref<1x79x128xi32, #tpu.memory_space<hbm>> -> memref<79x128xi32, #tpu.memory_space<hbm>>
      tpu.wait_dma2 semaphore(%run_scoped3A : memref<!tpu.dma_semaphore, #tpu.memory_space<semaphore_mem>>) src(%dma_wait3A_31 : memref<79x128xi32, #tpu.memory_space<hbm>>) dst(%arg6 : memref<79x128xi32, #tpu.memory_space<vmem>>)
      tpu.yield
    }) : () -> ()
    "tpu.region"() ({
      %run_scoped3A = tpu.sem_alloc : memref<!tpu.dma_semaphore, #tpu.memory_space<semaphore_mem>>
      %dma_start3A = arith.constant 0 : i32
      %dma_start3A_18 = arith.constant 0 : i32
      %dma_start3A_19 = tpu.memref_slice %arg4[%add3A, %dma_start3A, %dma_start3A_18] : memref<32x79x128xi32, #tpu.memory_space<hbm>> -> memref<1x79x128xi32, #tpu.memory_space<hbm>>
      %dma_start3A_20 = tpu.memref_squeeze %dma_start3A_19 : memref<1x79x128xi32, #tpu.memory_space<hbm>> -> memref<79x128xi32, #tpu.memory_space<hbm>>
      %dma_start3A_21 = arith.constant 0 : i32
      %dma_start3A_22 = arith.constant 0 : i32
      %dma_start3A_23 = tpu.memref_slice %arg4[%add3A, %dma_start3A_21, %dma_start3A_22] : memref<32x79x128xi32, #tpu.memory_space<hbm>> -> memref<1x79x128xi32, #tpu.memory_space<hbm>>
      %dma_start3A_24 = tpu.memref_squeeze %dma_start3A_23 : memref<1x79x128xi32, #tpu.memory_space<hbm>> -> memref<79x128xi32, #tpu.memory_space<hbm>>
      tpu.enqueue_dma source(%dma_start3A_24 : memref<79x128xi32, #tpu.memory_space<hbm>>) target(%arg7 : memref<79x128xi32, #tpu.memory_space<vmem>>) target_semaphore(%run_scoped3A : memref<!tpu.dma_semaphore, #tpu.memory_space<semaphore_mem>>)
      %dma_wait3A = arith.constant 0 : i32
      %dma_wait3A_25 = arith.constant 0 : i32
      %dma_wait3A_26 = tpu.memref_slice %arg4[%add3A, %dma_wait3A, %dma_wait3A_25] : memref<32x79x128xi32, #tpu.memory_space<hbm>> -> memref<1x79x128xi32, #tpu.memory_space<hbm>>
      %dma_wait3A_27 = tpu.memref_squeeze %dma_wait3A_26 : memref<1x79x128xi32, #tpu.memory_space<hbm>> -> memref<79x128xi32, #tpu.memory_space<hbm>>
      %dma_wait3A_28 = arith.constant 0 : i32
      %dma_wait3A_29 = arith.constant 0 : i32
      %dma_wait3A_30 = tpu.memref_slice %arg4[%add3A, %dma_wait3A_28, %dma_wait3A_29] : memref<32x79x128xi32, #tpu.memory_space<hbm>> -> memref<1x79x128xi32, #tpu.memory_space<hbm>>
      %dma_wait3A_31 = tpu.memref_squeeze %dma_wait3A_30 : memref<1x79x128xi32, #tpu.memory_space<hbm>> -> memref<79x128xi32, #tpu.memory_space<hbm>>
      tpu.wait_dma2 semaphore(%run_scoped3A : memref<!tpu.dma_semaphore, #tpu.memory_space<semaphore_mem>>) src(%dma_wait3A_31 : memref<79x128xi32, #tpu.memory_space<hbm>>) dst(%arg7 : memref<79x128xi32, #tpu.memory_space<vmem>>)
      tpu.yield
    }) : () -> ()
    %barrier3A = arith.constant 0 : index
    tpu.barrier barrier_id(%barrier3A)
    %scan3A = arith.constant 0 : i32
    %scan3A_5 = arith.constant 0 : i32
    %scan3A_6 = arith.constant 79 : i32
    %scan3A_7 = arith.addi %scan3A_5, %scan3A_6 : i32
    %scan3A_8 = arith.constant 1 : i32
    scf.for %scan3A_18 = %scan3A_5 to %scan3A_7 step %scan3A_8  : i32 {
      %dma_start3A = arith.constant 0 : i32
      %dma_start3A_19 = tpu.memref_slice %arg6[%scan3A_18, %dma_start3A] : memref<79x128xi32, #tpu.memory_space<vmem>> -> memref<1x128xi32, #tpu.memory_space<vmem>>
      %dma_start3A_20 = tpu.memref_squeeze %dma_start3A_19 : memref<1x128xi32, #tpu.memory_space<vmem>> -> memref<128xi32, #tpu.memory_space<vmem>>
      %dma_start3A_21 = arith.constant 0 : i32
      %dma_start3A_22 = arith.constant 0 : i32
      %dma_start3A_23 = tpu.memref_slice %arg2[%dma_start3A_21, %dma_start3A_22] : memref<10112x128xf32, #tpu.memory_space<hbm>> -> memref<10112x128xf32, #tpu.memory_space<hbm>>
      tpu.enqueue_indirect_dma source(%dma_start3A_23 : memref<10112x128xf32, #tpu.memory_space<hbm>>) target(%arg8 : memref<128x128xf32, #tpu.memory_space<vmem>>) offsets(%dma_start3A_20 : memref<128xi32, #tpu.memory_space<vmem>>) semaphore(%arg10 : memref<!tpu.dma_semaphore, #tpu.memory_space<semaphore_mem>>)
      %dma_wait3A = arith.constant 0 : i32
      %dma_wait3A_24 = tpu.memref_slice %arg6[%scan3A_18, %dma_wait3A] : memref<79x128xi32, #tpu.memory_space<vmem>> -> memref<1x128xi32, #tpu.memory_space<vmem>>
      %dma_wait3A_25 = tpu.memref_squeeze %dma_wait3A_24 : memref<1x128xi32, #tpu.memory_space<vmem>> -> memref<128xi32, #tpu.memory_space<vmem>>
      %dma_wait3A_26 = arith.constant 0 : i32
      %dma_wait3A_27 = arith.constant 0 : i32
      %dma_wait3A_28 = tpu.memref_slice %arg2[%dma_wait3A_26, %dma_wait3A_27] : memref<10112x128xf32, #tpu.memory_space<hbm>> -> memref<10112x128xf32, #tpu.memory_space<hbm>>
      tpu.wait_indirect_dma semaphore(%arg10 : memref<!tpu.dma_semaphore, #tpu.memory_space<semaphore_mem>>) src(%dma_wait3A_28 : memref<10112x128xf32, #tpu.memory_space<hbm>>) dst(%arg8 : memref<128x128xf32, #tpu.memory_space<vmem>>)
      "tpu.region"() ({
        %run_scoped3A = tpu.sem_alloc : memref<!tpu.dma_semaphore, #tpu.memory_space<semaphore_mem>>
        %dma_start3A_29 = arith.constant 0 : i32
        %dma_start3A_30 = tpu.memref_slice %arg7[%scan3A_18, %dma_start3A_29] : memref<79x128xi32, #tpu.memory_space<vmem>> -> memref<1x128xi32, #tpu.memory_space<vmem>>
        %dma_start3A_31 = tpu.memref_squeeze %dma_start3A_30 : memref<1x128xi32, #tpu.memory_space<vmem>> -> memref<128xi32, #tpu.memory_space<vmem>>
        %dma_start3A_32 = arith.constant 0 : i32
        %dma_start3A_33 = arith.constant 0 : i32
        %dma_start3A_34 = tpu.memref_slice %arg9[%dma_start3A_32, %dma_start3A_33] : memref<10112x128xf32, #tpu.memory_space<vmem_shared>> -> memref<10112x128xf32, #tpu.memory_space<vmem_shared>>
        tpu.enqueue_indirect_dma source(%arg8 : memref<128x128xf32, #tpu.memory_space<vmem>>) target(%dma_start3A_34 : memref<10112x128xf32, #tpu.memory_space<vmem_shared>>) offsets(%dma_start3A_31 : memref<128xi32, #tpu.memory_space<vmem>>) semaphore(%run_scoped3A : memref<!tpu.dma_semaphore, #tpu.memory_space<semaphore_mem>>) {add = true}
        %dma_wait3A_35 = arith.constant 0 : i32
        %dma_wait3A_36 = tpu.memref_slice %arg7[%scan3A_18, %dma_wait3A_35] : memref<79x128xi32, #tpu.memory_space<vmem>> -> memref<1x128xi32, #tpu.memory_space<vmem>>
        %dma_wait3A_37 = tpu.memref_squeeze %dma_wait3A_36 : memref<1x128xi32, #tpu.memory_space<vmem>> -> memref<128xi32, #tpu.memory_space<vmem>>
        %dma_wait3A_38 = arith.constant 0 : i32
        %dma_wait3A_39 = arith.constant 0 : i32
        %dma_wait3A_40 = tpu.memref_slice %arg9[%dma_wait3A_38, %dma_wait3A_39] : memref<10112x128xf32, #tpu.memory_space<vmem_shared>> -> memref<10112x128xf32, #tpu.memory_space<vmem_shared>>
        tpu.wait_indirect_dma semaphore(%run_scoped3A : memref<!tpu.dma_semaphore, #tpu.memory_space<semaphore_mem>>) src(%arg8 : memref<128x128xf32, #tpu.memory_space<vmem>>) dst(%dma_wait3A_40 : memref<10112x128xf32, #tpu.memory_space<vmem_shared>>)
        tpu.yield
      }) : () -> ()
    }
    %scan3A_9 = arith.constant 79 : i32
    %barrier3A_10 = arith.constant 0 : index
    tpu.barrier barrier_id(%barrier3A_10)
    %mul3A_11 = arith.constant 632 : i32
    %mul3A_12 = arith.muli %arg1, %mul3A_11 : i32
    %mul3A_13 = arith.constant 10112 : i32
    %mul3A_14 = arith.muli %arg0, %mul3A_13 : i32
    %mul3A_15 = arith.constant 632 : i32
    %mul3A_16 = arith.muli %arg1, %mul3A_15 : i32
    %add3A_17 = arith.addi %mul3A_14, %mul3A_16 : i32
    "tpu.region"() ({
      %run_scoped3A = tpu.sem_alloc : memref<!tpu.dma_semaphore, #tpu.memory_space<semaphore_mem>>
      %dma_start3A = arith.constant 0 : i32
      %dma_start3A_18 = tpu.memref_slice %arg5[%add3A_17, %dma_start3A] : memref<20224x128xf32, #tpu.memory_space<hbm>> -> memref<632x128xf32, #tpu.memory_space<hbm>>
      %dma_start3A_19 = arith.constant 0 : i32
      %dma_start3A_20 = tpu.memref_slice %arg9[%mul3A_12, %dma_start3A_19] : memref<10112x128xf32, #tpu.memory_space<vmem_shared>> -> memref<632x128xf32, #tpu.memory_space<vmem_shared>>
      tpu.enqueue_dma source(%dma_start3A_20 : memref<632x128xf32, #tpu.memory_space<vmem_shared>>) target(%dma_start3A_18 : memref<632x128xf32, #tpu.memory_space<hbm>>) target_semaphore(%run_scoped3A : memref<!tpu.dma_semaphore, #tpu.memory_space<semaphore_mem>>)
      %dma_wait3A = arith.constant 0 : i32
      %dma_wait3A_21 = tpu.memref_slice %arg5[%add3A_17, %dma_wait3A] : memref<20224x128xf32, #tpu.memory_space<hbm>> -> memref<632x128xf32, #tpu.memory_space<hbm>>
      %dma_wait3A_22 = arith.constant 0 : i32
      %dma_wait3A_23 = tpu.memref_slice %arg9[%mul3A_12, %dma_wait3A_22] : memref<10112x128xf32, #tpu.memory_space<vmem_shared>> -> memref<632x128xf32, #tpu.memory_space<vmem_shared>>
      tpu.wait_dma2 semaphore(%run_scoped3A : memref<!tpu.dma_semaphore, #tpu.memory_space<semaphore_mem>>) src(%dma_wait3A_23 : memref<632x128xf32, #tpu.memory_space<vmem_shared>>) dst(%dma_wait3A_21 : memref<632x128xf32, #tpu.memory_space<hbm>>)
      tpu.yield
    }) : () -> ()
    return
  }
}

#map = affine_map<(d0, d1) -> (0, 0)>
#map1 = affine_map<(d0, d1) -> (0, 0, 0)>
module attributes {stable_mosaic.version = 14 : i64} {
  func.func @_agg_body(%arg0: i32, %arg1: i32, %arg2: memref<10112x128xf32, #tpu.memory_space<hbm>>, %arg3: memref<32x79x128xi32, #tpu.memory_space<hbm>>, %arg4: memref<32x79x128xi32, #tpu.memory_space<hbm>>, %arg5: memref<20224x128xf32, #tpu.memory_space<hbm>>, %arg6: memref<79x128xi32, #tpu.memory_space<vmem>>, %arg7: memref<79x128xi32, #tpu.memory_space<vmem>>, %arg8: memref<128x128xf32, #tpu.memory_space<vmem>>, %arg9: memref<10112x128xf32, #tpu.memory_space<vmem_shared>>, %arg10: memref<!tpu.dma_semaphore, #tpu.memory_space<semaphore_mem>>) attributes {dimension_semantics = [#tpu.dimension_semantics<core_parallel>, #tpu.dimension_semantics<subcore_parallel>], iteration_bounds = array<i64: 2, 16>, scalar_prefetch = 0 : i64, scratch_operands = 5 : i64, tpu.core_type = #tpu.core_type<sc_vector_subcore>, window_params = [{transform_indices = #map}, {transform_indices = #map1}, {transform_indices = #map1}, {transform_indices = #map}]} {
    %mul3A = arith.constant 16 : i32
    %mul3A_0 = arith.muli %arg0, %mul3A : i32
    %add3A = arith.addi %mul3A_0, %arg1 : i32
    %mul3A_1 = arith.constant 632 : i32
    %mul3A_2 = arith.muli %arg1, %mul3A_1 : i32
    %mul3A_3 = arith.constant 632 : i32
    %mul3A_4 = arith.muli %arg1, %mul3A_3 : i32
    "tpu.region"() ({
      %run_scoped3A = tpu.sem_alloc : memref<!tpu.dma_semaphore, #tpu.memory_space<semaphore_mem>>
      %dma_start3A = arith.constant 0 : i32
      %dma_start3A_18 = tpu.memref_slice %arg9[%mul3A_4, %dma_start3A] : memref<10112x128xf32, #tpu.memory_space<vmem_shared>> -> memref<632x128xf32, #tpu.memory_space<vmem_shared>>
      %dma_start3A_19 = arith.constant 0 : i32
      %dma_start3A_20 = tpu.memref_slice %arg2[%mul3A_2, %dma_start3A_19] : memref<10112x128xf32, #tpu.memory_space<hbm>> -> memref<632x128xf32, #tpu.memory_space<hbm>>
      tpu.enqueue_dma source(%dma_start3A_20 : memref<632x128xf32, #tpu.memory_space<hbm>>) target(%dma_start3A_18 : memref<632x128xf32, #tpu.memory_space<vmem_shared>>) target_semaphore(%run_scoped3A : memref<!tpu.dma_semaphore, #tpu.memory_space<semaphore_mem>>)
      %dma_wait3A = arith.constant 0 : i32
      %dma_wait3A_21 = tpu.memref_slice %arg9[%mul3A_4, %dma_wait3A] : memref<10112x128xf32, #tpu.memory_space<vmem_shared>> -> memref<632x128xf32, #tpu.memory_space<vmem_shared>>
      %dma_wait3A_22 = arith.constant 0 : i32
      %dma_wait3A_23 = tpu.memref_slice %arg2[%mul3A_2, %dma_wait3A_22] : memref<10112x128xf32, #tpu.memory_space<hbm>> -> memref<632x128xf32, #tpu.memory_space<hbm>>
      tpu.wait_dma2 semaphore(%run_scoped3A : memref<!tpu.dma_semaphore, #tpu.memory_space<semaphore_mem>>) src(%dma_wait3A_23 : memref<632x128xf32, #tpu.memory_space<hbm>>) dst(%dma_wait3A_21 : memref<632x128xf32, #tpu.memory_space<vmem_shared>>)
      tpu.yield
    }) : () -> ()
    "tpu.region"() ({
      %run_scoped3A = tpu.sem_alloc : memref<!tpu.dma_semaphore, #tpu.memory_space<semaphore_mem>>
      %dma_start3A = arith.constant 0 : i32
      %dma_start3A_18 = arith.constant 0 : i32
      %dma_start3A_19 = tpu.memref_slice %arg3[%add3A, %dma_start3A, %dma_start3A_18] : memref<32x79x128xi32, #tpu.memory_space<hbm>> -> memref<1x79x128xi32, #tpu.memory_space<hbm>>
      %dma_start3A_20 = tpu.memref_squeeze %dma_start3A_19 : memref<1x79x128xi32, #tpu.memory_space<hbm>> -> memref<79x128xi32, #tpu.memory_space<hbm>>
      %dma_start3A_21 = arith.constant 0 : i32
      %dma_start3A_22 = arith.constant 0 : i32
      %dma_start3A_23 = tpu.memref_slice %arg3[%add3A, %dma_start3A_21, %dma_start3A_22] : memref<32x79x128xi32, #tpu.memory_space<hbm>> -> memref<1x79x128xi32, #tpu.memory_space<hbm>>
      %dma_start3A_24 = tpu.memref_squeeze %dma_start3A_23 : memref<1x79x128xi32, #tpu.memory_space<hbm>> -> memref<79x128xi32, #tpu.memory_space<hbm>>
      tpu.enqueue_dma source(%dma_start3A_24 : memref<79x128xi32, #tpu.memory_space<hbm>>) target(%arg6 : memref<79x128xi32, #tpu.memory_space<vmem>>) target_semaphore(%run_scoped3A : memref<!tpu.dma_semaphore, #tpu.memory_space<semaphore_mem>>)
      %dma_wait3A = arith.constant 0 : i32
      %dma_wait3A_25 = arith.constant 0 : i32
      %dma_wait3A_26 = tpu.memref_slice %arg3[%add3A, %dma_wait3A, %dma_wait3A_25] : memref<32x79x128xi32, #tpu.memory_space<hbm>> -> memref<1x79x128xi32, #tpu.memory_space<hbm>>
      %dma_wait3A_27 = tpu.memref_squeeze %dma_wait3A_26 : memref<1x79x128xi32, #tpu.memory_space<hbm>> -> memref<79x128xi32, #tpu.memory_space<hbm>>
      %dma_wait3A_28 = arith.constant 0 : i32
      %dma_wait3A_29 = arith.constant 0 : i32
      %dma_wait3A_30 = tpu.memref_slice %arg3[%add3A, %dma_wait3A_28, %dma_wait3A_29] : memref<32x79x128xi32, #tpu.memory_space<hbm>> -> memref<1x79x128xi32, #tpu.memory_space<hbm>>
      %dma_wait3A_31 = tpu.memref_squeeze %dma_wait3A_30 : memref<1x79x128xi32, #tpu.memory_space<hbm>> -> memref<79x128xi32, #tpu.memory_space<hbm>>
      tpu.wait_dma2 semaphore(%run_scoped3A : memref<!tpu.dma_semaphore, #tpu.memory_space<semaphore_mem>>) src(%dma_wait3A_31 : memref<79x128xi32, #tpu.memory_space<hbm>>) dst(%arg6 : memref<79x128xi32, #tpu.memory_space<vmem>>)
      tpu.yield
    }) : () -> ()
    "tpu.region"() ({
      %run_scoped3A = tpu.sem_alloc : memref<!tpu.dma_semaphore, #tpu.memory_space<semaphore_mem>>
      %dma_start3A = arith.constant 0 : i32
      %dma_start3A_18 = arith.constant 0 : i32
      %dma_start3A_19 = tpu.memref_slice %arg4[%add3A, %dma_start3A, %dma_start3A_18] : memref<32x79x128xi32, #tpu.memory_space<hbm>> -> memref<1x79x128xi32, #tpu.memory_space<hbm>>
      %dma_start3A_20 = tpu.memref_squeeze %dma_start3A_19 : memref<1x79x128xi32, #tpu.memory_space<hbm>> -> memref<79x128xi32, #tpu.memory_space<hbm>>
      %dma_start3A_21 = arith.constant 0 : i32
      %dma_start3A_22 = arith.constant 0 : i32
      %dma_start3A_23 = tpu.memref_slice %arg4[%add3A, %dma_start3A_21, %dma_start3A_22] : memref<32x79x128xi32, #tpu.memory_space<hbm>> -> memref<1x79x128xi32, #tpu.memory_space<hbm>>
      %dma_start3A_24 = tpu.memref_squeeze %dma_start3A_23 : memref<1x79x128xi32, #tpu.memory_space<hbm>> -> memref<79x128xi32, #tpu.memory_space<hbm>>
      tpu.enqueue_dma source(%dma_start3A_24 : memref<79x128xi32, #tpu.memory_space<hbm>>) target(%arg7 : memref<79x128xi32, #tpu.memory_space<vmem>>) target_semaphore(%run_scoped3A : memref<!tpu.dma_semaphore, #tpu.memory_space<semaphore_mem>>)
      %dma_wait3A = arith.constant 0 : i32
      %dma_wait3A_25 = arith.constant 0 : i32
      %dma_wait3A_26 = tpu.memref_slice %arg4[%add3A, %dma_wait3A, %dma_wait3A_25] : memref<32x79x128xi32, #tpu.memory_space<hbm>> -> memref<1x79x128xi32, #tpu.memory_space<hbm>>
      %dma_wait3A_27 = tpu.memref_squeeze %dma_wait3A_26 : memref<1x79x128xi32, #tpu.memory_space<hbm>> -> memref<79x128xi32, #tpu.memory_space<hbm>>
      %dma_wait3A_28 = arith.constant 0 : i32
      %dma_wait3A_29 = arith.constant 0 : i32
      %dma_wait3A_30 = tpu.memref_slice %arg4[%add3A, %dma_wait3A_28, %dma_wait3A_29] : memref<32x79x128xi32, #tpu.memory_space<hbm>> -> memref<1x79x128xi32, #tpu.memory_space<hbm>>
      %dma_wait3A_31 = tpu.memref_squeeze %dma_wait3A_30 : memref<1x79x128xi32, #tpu.memory_space<hbm>> -> memref<79x128xi32, #tpu.memory_space<hbm>>
      tpu.wait_dma2 semaphore(%run_scoped3A : memref<!tpu.dma_semaphore, #tpu.memory_space<semaphore_mem>>) src(%dma_wait3A_31 : memref<79x128xi32, #tpu.memory_space<hbm>>) dst(%arg7 : memref<79x128xi32, #tpu.memory_space<vmem>>)
      tpu.yield
    }) : () -> ()
    %barrier3A = arith.constant 0 : index
    tpu.barrier barrier_id(%barrier3A)
    %scan3A = arith.constant 0 : i32
    %scan3A_5 = arith.constant 0 : i32
    %scan3A_6 = arith.constant 79 : i32
    %scan3A_7 = arith.addi %scan3A_5, %scan3A_6 : i32
    %scan3A_8 = arith.constant 1 : i32
    scf.for %scan3A_18 = %scan3A_5 to %scan3A_7 step %scan3A_8  : i32 {
      %dma_start3A = arith.constant 0 : i32
      %dma_start3A_19 = tpu.memref_slice %arg6[%scan3A_18, %dma_start3A] : memref<79x128xi32, #tpu.memory_space<vmem>> -> memref<1x128xi32, #tpu.memory_space<vmem>>
      %dma_start3A_20 = tpu.memref_squeeze %dma_start3A_19 : memref<1x128xi32, #tpu.memory_space<vmem>> -> memref<128xi32, #tpu.memory_space<vmem>>
      %dma_start3A_21 = arith.constant 0 : i32
      %dma_start3A_22 = arith.constant 0 : i32
      %dma_start3A_23 = tpu.memref_slice %arg2[%dma_start3A_21, %dma_start3A_22] : memref<10112x128xf32, #tpu.memory_space<hbm>> -> memref<10112x128xf32, #tpu.memory_space<hbm>>
      tpu.enqueue_indirect_dma source(%dma_start3A_23 : memref<10112x128xf32, #tpu.memory_space<hbm>>) target(%arg8 : memref<128x128xf32, #tpu.memory_space<vmem>>) offsets(%dma_start3A_20 : memref<128xi32, #tpu.memory_space<vmem>>) semaphore(%arg10 : memref<!tpu.dma_semaphore, #tpu.memory_space<semaphore_mem>>)
      %dma_wait3A = arith.constant 0 : i32
      %dma_wait3A_24 = tpu.memref_slice %arg6[%scan3A_18, %dma_wait3A] : memref<79x128xi32, #tpu.memory_space<vmem>> -> memref<1x128xi32, #tpu.memory_space<vmem>>
      %dma_wait3A_25 = tpu.memref_squeeze %dma_wait3A_24 : memref<1x128xi32, #tpu.memory_space<vmem>> -> memref<128xi32, #tpu.memory_space<vmem>>
      %dma_wait3A_26 = arith.constant 0 : i32
      %dma_wait3A_27 = arith.constant 0 : i32
      %dma_wait3A_28 = tpu.memref_slice %arg2[%dma_wait3A_26, %dma_wait3A_27] : memref<10112x128xf32, #tpu.memory_space<hbm>> -> memref<10112x128xf32, #tpu.memory_space<hbm>>
      tpu.wait_indirect_dma semaphore(%arg10 : memref<!tpu.dma_semaphore, #tpu.memory_space<semaphore_mem>>) src(%dma_wait3A_28 : memref<10112x128xf32, #tpu.memory_space<hbm>>) dst(%arg8 : memref<128x128xf32, #tpu.memory_space<vmem>>)
      "tpu.region"() ({
        %run_scoped3A = tpu.sem_alloc : memref<!tpu.dma_semaphore, #tpu.memory_space<semaphore_mem>>
        %dma_start3A_29 = arith.constant 0 : i32
        %dma_start3A_30 = tpu.memref_slice %arg7[%scan3A_18, %dma_start3A_29] : memref<79x128xi32, #tpu.memory_space<vmem>> -> memref<1x128xi32, #tpu.memory_space<vmem>>
        %dma_start3A_31 = tpu.memref_squeeze %dma_start3A_30 : memref<1x128xi32, #tpu.memory_space<vmem>> -> memref<128xi32, #tpu.memory_space<vmem>>
        %dma_start3A_32 = arith.constant 0 : i32
        %dma_start3A_33 = arith.constant 0 : i32
        %dma_start3A_34 = tpu.memref_slice %arg9[%dma_start3A_32, %dma_start3A_33] : memref<10112x128xf32, #tpu.memory_space<vmem_shared>> -> memref<10112x128xf32, #tpu.memory_space<vmem_shared>>
        tpu.enqueue_indirect_dma source(%arg8 : memref<128x128xf32, #tpu.memory_space<vmem>>) target(%dma_start3A_34 : memref<10112x128xf32, #tpu.memory_space<vmem_shared>>) offsets(%dma_start3A_31 : memref<128xi32, #tpu.memory_space<vmem>>) semaphore(%run_scoped3A : memref<!tpu.dma_semaphore, #tpu.memory_space<semaphore_mem>>) {add = true}
        %dma_wait3A_35 = arith.constant 0 : i32
        %dma_wait3A_36 = tpu.memref_slice %arg7[%scan3A_18, %dma_wait3A_35] : memref<79x128xi32, #tpu.memory_space<vmem>> -> memref<1x128xi32, #tpu.memory_space<vmem>>
        %dma_wait3A_37 = tpu.memref_squeeze %dma_wait3A_36 : memref<1x128xi32, #tpu.memory_space<vmem>> -> memref<128xi32, #tpu.memory_space<vmem>>
        %dma_wait3A_38 = arith.constant 0 : i32
        %dma_wait3A_39 = arith.constant 0 : i32
        %dma_wait3A_40 = tpu.memref_slice %arg9[%dma_wait3A_38, %dma_wait3A_39] : memref<10112x128xf32, #tpu.memory_space<vmem_shared>> -> memref<10112x128xf32, #tpu.memory_space<vmem_shared>>
        tpu.wait_indirect_dma semaphore(%run_scoped3A : memref<!tpu.dma_semaphore, #tpu.memory_space<semaphore_mem>>) src(%arg8 : memref<128x128xf32, #tpu.memory_space<vmem>>) dst(%dma_wait3A_40 : memref<10112x128xf32, #tpu.memory_space<vmem_shared>>)
        tpu.yield
      }) : () -> ()
    }
    %scan3A_9 = arith.constant 79 : i32
    %barrier3A_10 = arith.constant 0 : index
    tpu.barrier barrier_id(%barrier3A_10)
    %mul3A_11 = arith.constant 632 : i32
    %mul3A_12 = arith.muli %arg1, %mul3A_11 : i32
    %mul3A_13 = arith.constant 10112 : i32
    %mul3A_14 = arith.muli %arg0, %mul3A_13 : i32
    %mul3A_15 = arith.constant 632 : i32
    %mul3A_16 = arith.muli %arg1, %mul3A_15 : i32
    %add3A_17 = arith.addi %mul3A_14, %mul3A_16 : i32
    "tpu.region"() ({
      %run_scoped3A = tpu.sem_alloc : memref<!tpu.dma_semaphore, #tpu.memory_space<semaphore_mem>>
      %dma_start3A = arith.constant 0 : i32
      %dma_start3A_18 = tpu.memref_slice %arg5[%add3A_17, %dma_start3A] : memref<20224x128xf32, #tpu.memory_space<hbm>> -> memref<632x128xf32, #tpu.memory_space<hbm>>
      %dma_start3A_19 = arith.constant 0 : i32
      %dma_start3A_20 = tpu.memref_slice %arg9[%mul3A_12, %dma_start3A_19] : memref<10112x128xf32, #tpu.memory_space<vmem_shared>> -> memref<632x128xf32, #tpu.memory_space<vmem_shared>>
      tpu.enqueue_dma source(%dma_start3A_20 : memref<632x128xf32, #tpu.memory_space<vmem_shared>>) target(%dma_start3A_18 : memref<632x128xf32, #tpu.memory_space<hbm>>) target_semaphore(%run_scoped3A : memref<!tpu.dma_semaphore, #tpu.memory_space<semaphore_mem>>)
      %dma_wait3A = arith.constant 0 : i32
      %dma_wait3A_21 = tpu.memref_slice %arg5[%add3A_17, %dma_wait3A] : memref<20224x128xf32, #tpu.memory_space<hbm>> -> memref<632x128xf32, #tpu.memory_space<hbm>>
      %dma_wait3A_22 = arith.constant 0 : i32
      %dma_wait3A_23 = tpu.memref_slice %arg9[%mul3A_12, %dma_wait3A_22] : memref<10112x128xf32, #tpu.memory_space<vmem_shared>> -> memref<632x128xf32, #tpu.memory_space<vmem_shared>>
      tpu.wait_dma2 semaphore(%run_scoped3A : memref<!tpu.dma_semaphore, #tpu.memory_space<semaphore_mem>>) src(%dma_wait3A_23 : memref<632x128xf32, #tpu.memory_space<vmem_shared>>) dst(%dma_wait3A_21 : memref<632x128xf32, #tpu.memory_space<hbm>>)
      tpu.yield
    }) : () -> ()
    return
  }
}

module attributes {stable_mosaic.version = 14 : i64} {
  func.func @_prep_body(%arg0: memref<10112x128xf32, #tpu.memory_space<vmem>>, %arg1: memref<20224x128xf32, #tpu.memory_space<vmem>>, %arg2: memref<128x128xf32, #tpu.memory_space<vmem>>, %arg3: memref<10112x128xf32, #tpu.memory_space<vmem>>, %arg4: memref<10112x1xf32, #tpu.memory_space<vmem>>) attributes {dimension_semantics = [], scalar_prefetch = 0 : i64, scratch_operands = 0 : i64, tpu.core_type = #tpu.core_type<tc>} {
    %get3A = arith.constant 0 : index
    %get3A_0 = arith.constant 0 : index
    %get3A_1 = vector.load %arg1[%get3A, %get3A_0] : memref<20224x128xf32, #tpu.memory_space<vmem>>, vector<10112x1xf32>
    %get3A_2 = arith.constant 10112 : index
    %get3A_3 = arith.constant 0 : index
    %get3A_4 = vector.load %arg1[%get3A_2, %get3A_3] : memref<20224x128xf32, #tpu.memory_space<vmem>>, vector<10112x1xf32>
    %add3A = arith.addf %get3A_1, %get3A_4 : vector<10112x1xf32>
    %add3A_5 = arith.constant 1.000000e+00 : f32
    %add3A_6 = vector.broadcast %add3A_5 : f32 to vector<10112x1xf32>
    %add3A_7 = arith.addf %add3A, %add3A_6 : vector<10112x1xf32>
    %rsqrt3A = math.rsqrt %add3A_7 : vector<10112x1xf32>
    %get3A_8 = arith.constant 0 : index
    %get3A_9 = arith.constant 0 : index
    %get3A_10 = vector.load %arg0[%get3A_8, %get3A_9] : memref<10112x128xf32, #tpu.memory_space<vmem>>, vector<10112x128xf32>
    %get3A_11 = arith.constant 0 : index
    %get3A_12 = arith.constant 0 : index
    %get3A_13 = vector.load %arg2[%get3A_11, %get3A_12] : memref<128x128xf32, #tpu.memory_space<vmem>>, vector<128x128xf32>
    %dot_general3A = arith.constant dense<0.000000e+00> : vector<10112x128xf32>
    %dot_general3A_14 = tpu.matmul %get3A_10, %get3A_13, %dot_general3A {dimension_numbers = #tpu.dot_dimension_numbers<[1], [0], [0], [1], [0, 0, 1, 1], [], []>, transpose_lhs_hint = false} : vector<10112x128xf32>, vector<128x128xf32>, vector<10112x128xf32> -> vector<10112x128xf32>
    %mul3A = vector.broadcast %rsqrt3A : vector<10112x1xf32> to vector<10112x128xf32>
    %mul3A_15 = arith.mulf %dot_general3A_14, %mul3A : vector<10112x128xf32>
    %swap3A = arith.constant 0 : index
    %swap3A_16 = arith.constant 0 : index
    %swap3A_17 = vector.load %arg3[%swap3A, %swap3A_16] : memref<10112x128xf32, #tpu.memory_space<vmem>>, vector<10112x128xf32>
    tpu.vector_store %arg3[%swap3A, %swap3A_16], %mul3A_15 {strides = array<i32>} : memref<10112x128xf32, #tpu.memory_space<vmem>>, vector<10112x128xf32>,
    %swap3A_18 = arith.constant 0 : index
    %swap3A_19 = arith.constant 0 : index
    %swap3A_20 = vector.load %arg4[%swap3A_18, %swap3A_19] : memref<10112x1xf32, #tpu.memory_space<vmem>>, vector<10112x1xf32>
    tpu.vector_store %arg4[%swap3A_18, %swap3A_19], %rsqrt3A {strides = array<i32>} : memref<10112x1xf32, #tpu.memory_space<vmem>>, vector<10112x1xf32>,
    return
  }
}

module attributes {stable_mosaic.version = 14 : i64} {
  func.func @_mid_body(%arg0: memref<20224x128xf32, #tpu.memory_space<vmem>>, %arg1: memref<10112x128xf32, #tpu.memory_space<vmem>>, %arg2: memref<10112x1xf32, #tpu.memory_space<vmem>>, %arg3: memref<1x128xf32, #tpu.memory_space<vmem>>, %arg4: memref<1x128xf32, #tpu.memory_space<vmem>>, %arg5: memref<1x128xf32, #tpu.memory_space<vmem>>, %arg6: memref<128x128xf32, #tpu.memory_space<vmem>>, %arg7: memref<10112x128xf32, #tpu.memory_space<vmem>>) attributes {dimension_semantics = [], scalar_prefetch = 0 : i64, scratch_operands = 0 : i64, tpu.core_type = #tpu.core_type<tc>} {
    %get3A = arith.constant 0 : index
    %get3A_0 = arith.constant 0 : index
    %get3A_1 = vector.load %arg2[%get3A, %get3A_0] : memref<10112x1xf32, #tpu.memory_space<vmem>>, vector<10112x1xf32>
    %get3A_2 = arith.constant 0 : index
    %get3A_3 = arith.constant 0 : index
    %get3A_4 = vector.load %arg0[%get3A_2, %get3A_3] : memref<20224x128xf32, #tpu.memory_space<vmem>>, vector<10112x128xf32>
    %get3A_5 = arith.constant 10112 : index
    %get3A_6 = arith.constant 0 : index
    %get3A_7 = vector.load %arg0[%get3A_5, %get3A_6] : memref<20224x128xf32, #tpu.memory_space<vmem>>, vector<10112x128xf32>
    %add3A = arith.addf %get3A_4, %get3A_7 : vector<10112x128xf32>
    %get3A_8 = arith.constant 0 : index
    %get3A_9 = arith.constant 0 : index
    %get3A_10 = vector.load %arg1[%get3A_8, %get3A_9] : memref<10112x128xf32, #tpu.memory_space<vmem>>, vector<10112x128xf32>
    %sub3A = arith.subf %add3A, %get3A_10 : vector<10112x128xf32>
    %mul3A = vector.broadcast %get3A_1 : vector<10112x1xf32> to vector<10112x128xf32>
    %mul3A_11 = arith.mulf %sub3A, %mul3A : vector<10112x128xf32>
    %get3A_12 = arith.constant 0 : index
    %get3A_13 = arith.constant 0 : index
    %get3A_14 = vector.load %arg3[%get3A_12, %get3A_13] : memref<1x128xf32, #tpu.memory_space<vmem>>, vector<1x128xf32>
    %add3A_15 = vector.broadcast %get3A_14 : vector<1x128xf32> to vector<10112x128xf32>
    %add3A_16 = arith.addf %mul3A_11, %add3A_15 : vector<10112x128xf32>
    %slice3A = vector.extract_strided_slice %add3A_16 {offsets = [0, 0], sizes = [10000, 128], strides = [1, 1]} : vector<10112x128xf32> to vector<10000x128xf32>
    %reduce_sum3A = arith.constant dense<0.000000e+00> : vector<128xf32>
    %reduce_sum3A_17 = vector.multi_reduction <add>, %slice3A, %reduce_sum3A [0] : vector<10000x128xf32> to vector<128xf32>
    %broadcast_in_dim3A = vector.shape_cast %reduce_sum3A_17 : vector<128xf32> to vector<1x128xf32>
    %div3A = arith.constant 1.000000e+04 : f32
    %div3A_18 = vector.broadcast %div3A : f32 to vector<1x128xf32>
    %div3A_19 = arith.divf %broadcast_in_dim3A, %div3A_18 : vector<1x128xf32>
    %mul3A_20 = arith.mulf %slice3A, %slice3A : vector<10000x128xf32>
    %reduce_sum3A_21 = arith.constant dense<0.000000e+00> : vector<128xf32>
    %reduce_sum3A_22 = vector.multi_reduction <add>, %mul3A_20, %reduce_sum3A_21 [0] : vector<10000x128xf32> to vector<128xf32>
    %broadcast_in_dim3A_23 = vector.shape_cast %reduce_sum3A_22 : vector<128xf32> to vector<1x128xf32>
    %div3A_24 = arith.constant 1.000000e+04 : f32
    %div3A_25 = vector.broadcast %div3A_24 : f32 to vector<1x128xf32>
    %div3A_26 = arith.divf %broadcast_in_dim3A_23, %div3A_25 : vector<1x128xf32>
    %mul3A_27 = arith.mulf %div3A_19, %div3A_19 : vector<1x128xf32>
    %sub3A_28 = arith.subf %div3A_26, %mul3A_27 : vector<1x128xf32>
    %sub3A_29 = vector.broadcast %div3A_19 : vector<1x128xf32> to vector<10112x128xf32>
    %sub3A_30 = arith.subf %add3A_16, %sub3A_29 : vector<10112x128xf32>
    %add3A_31 = arith.constant 9.99999974E-6 : f32
    %add3A_32 = vector.broadcast %add3A_31 : f32 to vector<1x128xf32>
    %add3A_33 = arith.addf %sub3A_28, %add3A_32 : vector<1x128xf32>
    %rsqrt3A = math.rsqrt %add3A_33 : vector<1x128xf32>
    %mul3A_34 = vector.broadcast %rsqrt3A : vector<1x128xf32> to vector<10112x128xf32>
    %mul3A_35 = arith.mulf %sub3A_30, %mul3A_34 : vector<10112x128xf32>
    %get3A_36 = arith.constant 0 : index
    %get3A_37 = arith.constant 0 : index
    %get3A_38 = vector.load %arg4[%get3A_36, %get3A_37] : memref<1x128xf32, #tpu.memory_space<vmem>>, vector<1x128xf32>
    %mul3A_39 = vector.broadcast %get3A_38 : vector<1x128xf32> to vector<10112x128xf32>
    %mul3A_40 = arith.mulf %mul3A_35, %mul3A_39 : vector<10112x128xf32>
    %get3A_41 = arith.constant 0 : index
    %get3A_42 = arith.constant 0 : index
    %get3A_43 = vector.load %arg5[%get3A_41, %get3A_42] : memref<1x128xf32, #tpu.memory_space<vmem>>, vector<1x128xf32>
    %add3A_44 = vector.broadcast %get3A_43 : vector<1x128xf32> to vector<10112x128xf32>
    %add3A_45 = arith.addf %mul3A_40, %add3A_44 : vector<10112x128xf32>
    %max3A = arith.constant 0.000000e+00 : f32
    %max3A_46 = vector.broadcast %max3A : f32 to vector<10112x128xf32>
    %max3A_47 = arith.maximumf %add3A_45, %max3A_46 : vector<10112x128xf32>
    %get3A_48 = arith.constant 0 : index
    %get3A_49 = arith.constant 0 : index
    %get3A_50 = vector.load %arg6[%get3A_48, %get3A_49] : memref<128x128xf32, #tpu.memory_space<vmem>>, vector<128x128xf32>
    %dot_general3A = arith.constant dense<0.000000e+00> : vector<10112x128xf32>
    %dot_general3A_51 = tpu.matmul %max3A_47, %get3A_50, %dot_general3A {dimension_numbers = #tpu.dot_dimension_numbers<[1], [0], [0], [1], [0, 0, 1, 1], [], []>, transpose_lhs_hint = false} : vector<10112x128xf32>, vector<128x128xf32>, vector<10112x128xf32> -> vector<10112x128xf32>
    %mul3A_52 = vector.broadcast %get3A_1 : vector<10112x1xf32> to vector<10112x128xf32>
    %mul3A_53 = arith.mulf %dot_general3A_51, %mul3A_52 : vector<10112x128xf32>
    %swap3A = arith.constant 0 : index
    %swap3A_54 = arith.constant 0 : index
    %swap3A_55 = vector.load %arg7[%swap3A, %swap3A_54] : memref<10112x128xf32, #tpu.memory_space<vmem>>, vector<10112x128xf32>
    tpu.vector_store %arg7[%swap3A, %swap3A_54], %mul3A_53 {strides = array<i32>} : memref<10112x128xf32, #tpu.memory_space<vmem>>, vector<10112x128xf32>,
    return
  }
}

module attributes {stable_mosaic.version = 14 : i64} {
  func.func @_final_body(%arg0: memref<20224x128xf32, #tpu.memory_space<vmem>>, %arg1: memref<10112x128xf32, #tpu.memory_space<vmem>>, %arg2: memref<10112x1xf32, #tpu.memory_space<vmem>>, %arg3: memref<1x128xf32, #tpu.memory_space<vmem>>, %arg4: memref<1x128xf32, #tpu.memory_space<vmem>>, %arg5: memref<1x128xf32, #tpu.memory_space<vmem>>, %arg6: memref<1x10000xi32, #tpu.memory_space<vmem>>, %arg7: memref<128x128xf32, #tpu.memory_space<vmem>>, %arg8: memref<1x128xf32, #tpu.memory_space<vmem>>, %arg9: memref<64x128xf32, #tpu.memory_space<vmem>>) attributes {dimension_semantics = [], scalar_prefetch = 0 : i64, scratch_operands = 0 : i64, tpu.core_type = #tpu.core_type<tc>} {
    %get3A = arith.constant 0 : index
    %get3A_0 = arith.constant 0 : index
    %get3A_1 = vector.load %arg2[%get3A, %get3A_0] : memref<10112x1xf32, #tpu.memory_space<vmem>>, vector<10112x1xf32>
    %get3A_2 = arith.constant 0 : index
    %get3A_3 = arith.constant 0 : index
    %get3A_4 = vector.load %arg0[%get3A_2, %get3A_3] : memref<20224x128xf32, #tpu.memory_space<vmem>>, vector<10112x128xf32>
    %get3A_5 = arith.constant 10112 : index
    %get3A_6 = arith.constant 0 : index
    %get3A_7 = vector.load %arg0[%get3A_5, %get3A_6] : memref<20224x128xf32, #tpu.memory_space<vmem>>, vector<10112x128xf32>
    %add3A = arith.addf %get3A_4, %get3A_7 : vector<10112x128xf32>
    %get3A_8 = arith.constant 0 : index
    %get3A_9 = arith.constant 0 : index
    %get3A_10 = vector.load %arg1[%get3A_8, %get3A_9] : memref<10112x128xf32, #tpu.memory_space<vmem>>, vector<10112x128xf32>
    %sub3A = arith.subf %add3A, %get3A_10 : vector<10112x128xf32>
    %mul3A = vector.broadcast %get3A_1 : vector<10112x1xf32> to vector<10112x128xf32>
    %mul3A_11 = arith.mulf %sub3A, %mul3A : vector<10112x128xf32>
    %get3A_12 = arith.constant 0 : index
    %get3A_13 = arith.constant 0 : index
    %get3A_14 = vector.load %arg3[%get3A_12, %get3A_13] : memref<1x128xf32, #tpu.memory_space<vmem>>, vector<1x128xf32>
    %add3A_15 = vector.broadcast %get3A_14 : vector<1x128xf32> to vector<10112x128xf32>
    %add3A_16 = arith.addf %mul3A_11, %add3A_15 : vector<10112x128xf32>
    %slice3A = vector.extract_strided_slice %add3A_16 {offsets = [0, 0], sizes = [10000, 128], strides = [1, 1]} : vector<10112x128xf32> to vector<10000x128xf32>
    %reduce_sum3A = arith.constant dense<0.000000e+00> : vector<128xf32>
    %reduce_sum3A_17 = vector.multi_reduction <add>, %slice3A, %reduce_sum3A [0] : vector<10000x128xf32> to vector<128xf32>
    %broadcast_in_dim3A = vector.shape_cast %reduce_sum3A_17 : vector<128xf32> to vector<1x128xf32>
    %div3A = arith.constant 1.000000e+04 : f32
    %div3A_18 = vector.broadcast %div3A : f32 to vector<1x128xf32>
    %div3A_19 = arith.divf %broadcast_in_dim3A, %div3A_18 : vector<1x128xf32>
    %mul3A_20 = arith.mulf %slice3A, %slice3A : vector<10000x128xf32>
    %reduce_sum3A_21 = arith.constant dense<0.000000e+00> : vector<128xf32>
    %reduce_sum3A_22 = vector.multi_reduction <add>, %mul3A_20, %reduce_sum3A_21 [0] : vector<10000x128xf32> to vector<128xf32>
    %broadcast_in_dim3A_23 = vector.shape_cast %reduce_sum3A_22 : vector<128xf32> to vector<1x128xf32>
    %div3A_24 = arith.constant 1.000000e+04 : f32
    %div3A_25 = vector.broadcast %div3A_24 : f32 to vector<1x128xf32>
    %div3A_26 = arith.divf %broadcast_in_dim3A_23, %div3A_25 : vector<1x128xf32>
    %mul3A_27 = arith.mulf %div3A_19, %div3A_19 : vector<1x128xf32>
    %sub3A_28 = arith.subf %div3A_26, %mul3A_27 : vector<1x128xf32>
    %sub3A_29 = vector.broadcast %div3A_19 : vector<1x128xf32> to vector<10112x128xf32>
    %sub3A_30 = arith.subf %add3A_16, %sub3A_29 : vector<10112x128xf32>
    %add3A_31 = arith.constant 9.99999974E-6 : f32
    %add3A_32 = vector.broadcast %add3A_31 : f32 to vector<1x128xf32>
    %add3A_33 = arith.addf %sub3A_28, %add3A_32 : vector<1x128xf32>
    %rsqrt3A = math.rsqrt %add3A_33 : vector<1x128xf32>
    %mul3A_34 = vector.broadcast %rsqrt3A : vector<1x128xf32> to vector<10112x128xf32>
    %mul3A_35 = arith.mulf %sub3A_30, %mul3A_34 : vector<10112x128xf32>
    %get3A_36 = arith.constant 0 : index
    %get3A_37 = arith.constant 0 : index
    %get3A_38 = vector.load %arg4[%get3A_36, %get3A_37] : memref<1x128xf32, #tpu.memory_space<vmem>>, vector<1x128xf32>
    %mul3A_39 = vector.broadcast %get3A_38 : vector<1x128xf32> to vector<10112x128xf32>
    %mul3A_40 = arith.mulf %mul3A_35, %mul3A_39 : vector<10112x128xf32>
    %get3A_41 = arith.constant 0 : index
    %get3A_42 = arith.constant 0 : index
    %get3A_43 = vector.load %arg5[%get3A_41, %get3A_42] : memref<1x128xf32, #tpu.memory_space<vmem>>, vector<1x128xf32>
    %add3A_44 = vector.broadcast %get3A_43 : vector<1x128xf32> to vector<10112x128xf32>
    %add3A_45 = arith.addf %mul3A_40, %add3A_44 : vector<10112x128xf32>
    %max3A = arith.constant 0.000000e+00 : f32
    %max3A_46 = vector.broadcast %max3A : f32 to vector<10112x128xf32>
    %max3A_47 = arith.maximumf %add3A_45, %max3A_46 : vector<10112x128xf32>
    %slice3A_48 = vector.extract_strided_slice %max3A_47 {offsets = [0, 0], sizes = [10000, 128], strides = [1, 1]} : vector<10112x128xf32> to vector<10000x128xf32>
    %iota3A = tpu.iota {dimensions = array<i32: 0>} : vector<64x10000xi32>
    %get3A_49 = arith.constant 0 : index
    %get3A_50 = arith.constant 0 : index
    %get3A_51 = vector.load %arg6[%get3A_49, %get3A_50] : memref<1x10000xi32, #tpu.memory_space<vmem>>, vector<1x10000xi32>
    %eq3A = vector.broadcast %get3A_51 : vector<1x10000xi32> to vector<64x10000xi32>
    %eq3A_52 = arith.cmpi eq, %iota3A, %eq3A : vector<64x10000xi32>
    %convert_element_type3A = arith.extui %eq3A_52 : vector<64x10000xi1> to vector<64x10000xi32>
    %convert_element_type3A_53 = arith.sitofp %convert_element_type3A : vector<64x10000xi32> to vector<64x10000xf32>
    %dot_general3A = arith.constant dense<0.000000e+00> : vector<64x128xf32>
    %dot_general3A_54 = tpu.matmul %convert_element_type3A_53, %slice3A_48, %dot_general3A {dimension_numbers = #tpu.dot_dimension_numbers<[1], [0], [0], [1], [0, 0, 1, 1], [], []>, transpose_lhs_hint = false} : vector<64x10000xf32>, vector<10000x128xf32>, vector<64x128xf32> -> vector<64x128xf32>
    %reduce_sum3A_55 = arith.constant dense<0.000000e+00> : vector<64xf32>
    %reduce_sum3A_56 = vector.multi_reduction <add>, %convert_element_type3A_53, %reduce_sum3A_55 [1] : vector<64x10000xf32> to vector<64xf32>
    %broadcast_in_dim3A_57 = vector.shape_cast %reduce_sum3A_56 : vector<64xf32> to vector<64x1xf32>
    %max3A_58 = arith.constant 1.000000e+00 : f32
    %max3A_59 = vector.broadcast %max3A_58 : f32 to vector<64x1xf32>
    %max3A_60 = arith.maximumf %broadcast_in_dim3A_57, %max3A_59 : vector<64x1xf32>
    %div3A_61 = vector.broadcast %max3A_60 : vector<64x1xf32> to vector<64x128xf32>
    %div3A_62 = arith.divf %dot_general3A_54, %div3A_61 : vector<64x128xf32>
    %get3A_63 = arith.constant 0 : index
    %get3A_64 = arith.constant 0 : index
    %get3A_65 = vector.load %arg7[%get3A_63, %get3A_64] : memref<128x128xf32, #tpu.memory_space<vmem>>, vector<128x128xf32>
    %dot_general3A_66 = arith.constant dense<0.000000e+00> : vector<64x128xf32>
    %dot_general3A_67 = tpu.matmul %div3A_62, %get3A_65, %dot_general3A_66 {dimension_numbers = #tpu.dot_dimension_numbers<[1], [0], [0], [1], [0, 0, 1, 1], [], []>, transpose_lhs_hint = false} : vector<64x128xf32>, vector<128x128xf32>, vector<64x128xf32> -> vector<64x128xf32>
    %get3A_68 = arith.constant 0 : index
    %get3A_69 = arith.constant 0 : index
    %get3A_70 = vector.load %arg8[%get3A_68, %get3A_69] : memref<1x128xf32, #tpu.memory_space<vmem>>, vector<1x128xf32>
    %add3A_71 = vector.broadcast %get3A_70 : vector<1x128xf32> to vector<64x128xf32>
    %add3A_72 = arith.addf %dot_general3A_67, %add3A_71 : vector<64x128xf32>
    %swap3A = arith.constant 0 : index
    %swap3A_73 = arith.constant 0 : index
    %swap3A_74 = vector.load %arg9[%swap3A, %swap3A_73] : memref<64x128xf32, #tpu.memory_space<vmem>>, vector<64x128xf32>
    tpu.vector_store %arg9[%swap3A, %swap3A_73], %add3A_72 {strides = array<i32>} : memref<64x128xf32, #tpu.memory_space<vmem>>, vector<64x128xf32>,
    return
  }
}

</mosaic_0001>

<sc_bundles>
// kernel: kernel.11.cloned.1.call-start
scs
__scs_entry_jumppad:
0x0: {  	(pc) =	sbr.rel $0x88, $3  }
0x1: {  	(tag) =	ssettag $0x0;
	lr =	simm.s32 $0x1  }
0x2: {  	[smem:$0x3F96] =	sst lr;
	_ =	strace $0xD0000000  }
0x3: {  	_ = 	snop  }
0x4: {  	_ = 	snop  }
0x5: {  	_ = 	snop  }
0x6: {  	_ = 	snop  }
0x7: {  	_ = 	snop  }
__scs_overlays_trampoline_lowered:
0x8: {  	[smem:$0x3FA5] =	sst s0  }
0x9: {  	[smem:$0x3FA6] =	sst s1  }
0xa: {  	[smem:$0x3FA7] =	sst s2  }
0xb: {  	[smem:$0x3FA8] =	sst s3  }
0xc: {  	[smem:$0x3FA9] =	sst s4  }
0xd: {  	[smem:$0x3FAA] =	sst s5  }
0xe: {  	[smem:$0x3FAB] =	sst s6  }
0xf: {  	[smem:$0x3FAC] =	sst s7  }
0x10: {  	[smem:$0x3FAD] =	sst s8  }
0x11: {  	[smem:$0x3FAE] =	sst s9;
	s0 =	simm.s32 @!p0 $0x0  }
0x12: {  	s1 =	sld [smem:$0x3F94];
	s0 =	simm.s32 @p0 $0x1  }
0x13: {  	[smem:$0x3FAF] =	sst s0;
	s0 =	simm.s32 @!p1 $0x0  }
0x14: {  	s2 =	sld [smem:$0x3F93];
	s0 =	simm.s32 @p1 $0x1  }
0x15: {  	[smem:$0x3FB0] =	sst s0;
	s0 =	simm.s32 @!p2 $0x0  }
0x16: {  	s3 =	sld [smem:$0x3FDB];
	s0 =	simm.s32 @p2 $0x1  }
0x17: {  	s4 =	simm.s32 $0x1BF5;
	[smem:$0x3FB2] =	sst s0  }
0x18: {  	s0 =	sld [smem:$0x3F95];
	_ =	swait.ge [sflag:s4], $0x0  }
0x19: {  	s7 =	sld [smem:$0x3F96]  }
0x1a: {  	s8 =	sadd.s32 $0xFFFFE003, lr  }
0x1b: {  	s9 =	sadd.s32 $0xFFFFFEF7, lr;
	s5 =	simm.s32 $0xFFFFFFFF;
	p2 =	slt.u32 s8, $0xFFFFF086  }
0x1c: {  	p1 =	slt.u32 s9, $0xF7A;
	s5 =	simm.s32 @!p2 $0x0  }
0x1d: {  	s5 =	simm.s32 @p1 $0x1;
	p0 =	seq.s32 s7, s2  }
0x1e: {  	s7 =	smul.u32 @!p0 $0xF7A, s2;
	p2 =	seq.s32 @!p0 s5, $0x0  }
0x1f: {  	s9 =	smul.u32 $0xF7A, s1;
	s8 =	simm.s32 @!p0 $0x1BF5;
	p2 =	por !p2, p0  }
0x20: {  	[sflag:s8] =	ssyncset.s32 @!p0 $0xFFFFF086;
	s6 =	sadd.s32 @!p0 s3, s7;
	s7 =	simm.s32 @!p0 $0x108  }
0x21: {  	s3 =	sadd.s32 s3, s9;
	s6 =	sadd.s32 @!p0 $0x88, s6;
	s7 =	simm.s32 @p2 $0x1082  }
0x22: {  	[simem:s7], [sflag:s8] =	dma.local @!p0 [hbm:s6], $0xF7A  }
0x23: {  	s9 =	sor.u32 $0xD0000000, s2;
	s6 =	simm.s32 $0x108;
	_ =	swait.ge @!p0 [sflag:s8], $0x0  }
0x24: {  	s3 =	sadd.s32 $0x88, s3;
	s6 =	simm.s32 @!p1 $0x1082;
	[sflag:s4] =	ssyncset.s32 $0xFFFFF086  }
0x25: {  	[simem:s6], [sflag:s4] =	dma.local [hbm:s3], $0xF7A  }
0x26: {  	[smem:$0x3F96] =	sst s1;
	(tag) =	ssettag s2;
	_ =	strace s9  }
0x27: {  	s1 =	sld [smem:$0x3FA6]  }
0x28: {  	s2 =	sld [smem:$0x3FA7]  }
0x29: {  	s4 =	sld [smem:$0x3FA9]  }
0x2a: {  	p0 =	seq.s32 s5, $0x0;
	s5 =	sld [smem:$0x3FAA]  }
0x2b: {  	s6 =	sld [smem:$0x3FAB]  }
0x2c: {  	s7 =	sld [smem:$0x3FAC]  }
0x2d: {  	s3 =	simm.s32 $0x108;
	s8 =	sld [smem:$0x3FAD]  }
0x2e: {  	s3 =	simm.s32 @!p0 $0x1082;
	s9 =	sld [smem:$0x3FAE]  }
0x2f: {  	lr =	sadd.s32 s0, s3;
	s0 =	sld [smem:$0x3FA5]  }
0x30: {  	s3 =	sld [smem:$0x3FA8]  }
0x31: {  	[smem:$0x3FB1] =	sst s10  }
0x32: {  	s10 =	sld [smem:$0x3FAF];
	_ =	sdelay $0x3  }
0x33: {  	p0 =	seq.s32 s10, $0x1;
	s10 =	sld [smem:$0x3FB1];
	_ =	sdelay $0x3  }
0x34: {  	[smem:$0x3FB1] =	sst s10  }
0x35: {  	s10 =	sld [smem:$0x3FB0];
	_ =	sdelay $0x3  }
0x36: {  	p1 =	seq.s32 s10, $0x1;
	s10 =	sld [smem:$0x3FB1];
	_ =	sdelay $0x3  }
0x37: {  	[smem:$0x3FB1] =	sst s10  }
0x38: {  	s10 =	sld [smem:$0x3FB2]  }
0x39: {  	_ = 	snop;
	(pc) =	sbr.ind lr, $3  }
0x3a: {  	_ = 	snop  }
0x3b: {  	_ = 	snop  }
0x3c: {  	p2 =	seq.s32 s10, $0x1;
	s10 =	sld [smem:$0x3FB1]  }
0x3d: {  	_ =	shalt  }
0x3e: {  	_ =	shalt  }
0x3f: {  	_ =	shalt  }
0x40: {  	_ =	shalt  }
0x41: {  	_ =	shalt  }
0x42: {  	_ =	shalt  }
0x43: {  	_ =	shalt  }
0x44: {  	_ =	shalt  }
0x45: {  	_ =	shalt  }
0x46: {  	_ =	shalt  }
0x47: {  	_ =	shalt  }
0x48: {  	_ =	shalt  }
0x49: {  	_ =	shalt  }
0x4a: {  	_ =	shalt  }
0x4b: {  	_ =	shalt  }
0x4c: {  	_ =	shalt  }
0x4d: {  	_ =	shalt  }
0x4e: {  	_ =	shalt  }
0x4f: {  	_ =	shalt  }
0x50: {  	_ =	shalt  }
0x51: {  	_ =	shalt  }
0x52: {  	_ =	shalt  }
0x53: {  	_ =	shalt  }
0x54: {  	_ =	shalt  }
0x55: {  	_ =	shalt  }
0x56: {  	_ =	shalt  }
0x57: {  	_ =	shalt  }
0x58: {  	_ =	shalt  }
0x59: {  	_ =	shalt  }
0x5a: {  	_ =	shalt  }
0x5b: {  	_ =	shalt  }
0x5c: {  	_ =	shalt  }
0x5d: {  	_ =	shalt  }
0x5e: {  	_ =	shalt  }
0x5f: {  	_ =	shalt  }
0x60: {  	_ =	shalt  }
0x61: {  	_ =	shalt  }
0x62: {  	_ =	shalt  }
0x63: {  	_ =	shalt  }
0x64: {  	_ =	shalt  }
0x65: {  	_ =	shalt  }
0x66: {  	_ =	shalt  }
0x67: {  	_ =	shalt  }
0x68: {  	_ =	shalt  }
0x69: {  	_ =	shalt  }
0x6a: {  	_ =	shalt  }
0x6b: {  	_ =	shalt  }
0x6c: {  	_ =	shalt  }
0x6d: {  	_ =	shalt  }
0x6e: {  	_ =	shalt  }
0x6f: {  	_ =	shalt  }
0x70: {  	_ =	shalt  }
0x71: {  	_ =	shalt  }
0x72: {  	_ =	shalt  }
0x73: {  	_ =	shalt  }
0x74: {  	_ =	shalt  }
0x75: {  	_ =	shalt  }
0x76: {  	_ =	shalt  }
0x77: {  	_ =	shalt  }
0x78: {  	_ =	shalt  }
0x79: {  	_ =	shalt  }
0x7a: {  	_ =	shalt  }
0x7b: {  	_ =	shalt  }
0x7c: {  	_ =	shalt  }
0x7d: {  	_ =	shalt  }
0x7e: {  	_ =	shalt  }
0x7f: {  	_ =	shalt  }
0x80: {  	_ =	shalt  }
0x81: {  	_ =	shalt  }
0x82: {  	_ =	shalt  }
0x83: {  	_ =	shalt  }
0x84: {  	_ =	shalt  }
0x85: {  	_ =	shalt  }
0x86: {  	_ =	shalt  }
0x87: {  	_ =	shalt  }
.Lfunc_end0:
.L_simem_size_0:
called_computation.1_lowered:
.L_overlay_start_0:
0x88: {  	s2 =	sld [smem:$0x3FD9]  }
0x89: {  	s3 =	sld [smem:$0x3FFE];
	_ =	sdelay $0x1  }
0x8a: {  	s1 =	srdreg.scid  }
0x8b: {  	s0 =	sand.u32 $0x1, s1  }
0x8c: {  	s16 =	sshll.u32 s0, $0xA;
	s2 =	sadd.s32 s3, s2  }
0x8d: {  	s2 =	sadd.s32 s2, s16  }
0x8e: {  	[smem:$0x3FBD] =	sst s2  }
0x8f: {  	_ = 	snop  }
0x90: {  	(tm) =	ssettm $0x1  }
0x91: {  	s17 =	sld [smem:$0x3FFB];
	_ =	sdelay $0x3  }
0x92: {  	_ =	strace s17  }
0x93: {  	s2 =	sld [smem:$0x3FFC];
	_ =	sdelay $0x3  }
0x94: {  	_ =	strace s2  }
0x95: {  	s2 =	sld [smem:$0x3FFD];
	_ =	sdelay $0x3  }
0x96: {  	_ =	strace s2  }
0x97: {  	_ =	strace $0x8FFFFFFF  }
0x98: {  	s18 =	sld [smem:$0x3FDB];
	_ =	sdelay $0x1  }
0x99: {  	s19 =	simm.s32 $_scs_section_size  }
0x9a: {  	s4 =	simm.s32 $_size__tile_overlayer_lowered;
	s5 =	simm.s32 $_tile_overlayer_lowered  }
0x9b: {  	s22 =	simm.s32 $0x1BFF;
	s21 =	sshll.u32 s5, $0x1;
	s2 =	sadd.s32 s19, s18  }
0x9c: {  	s6 =	simm.s32 $0x0;
	s20 =	sshll.u32 s4, $0x1;
	s4 =	sadd.s32 s21, s2  }
0x9d: {  	[timem:s6], [sflag:s22] =	dma.local [hbm:s4], s20  }
0x9e: {  	_ =	swait.ge [sflag:s22], s20  }
0x9f: {  	s3 =	ssub.s32 $0x0, s20;
	[sflag:s22] =	ssyncset.done $0x0  }
0xa0: {  	[sflag:s22] =	ssyncadd.s32 s3;
	_ =	sdelay $0x1  }
0xa1: {  	s23 =	simm.s32 $0x1B8B  }
0xa2: {  	_ =	swait.ge [sflag:s23], $0x1  }
0xa3: {  	[sflag:s23] =	ssyncset.done $0x0  }
0xa4: {  	s25 =	simm.s32 $0x1B8E;
	s24 =	sld [smem:$0x3FFE];
	[sflag:s23] =	ssyncadd.s32 $0xFFFFFFFF  }
0xa5: {  	s26 =	simm.s32 $execute0_lowered;
	[smem:$0x3FD2] =	sst s25  }
0xa6: {  	s4 =	sshll.u32 s26, $0x1;
	_ =	strace $0x80000049;
	[dreg:$0x1] =	wrdreg $0xFFFFFFFF  }
0xa7: {  	s28 =	simm.s32 $_size_execute0_lowered;
	s2 =	sadd.s32 s2, s4;
	[dreg:$0x0] =	wrdreg $0x0  }
0xa8: {  	s4 =	sshll.u32 s28, $0x1;
	[dreg:$0x2] =	wrdreg s2  }
0xa9: {  	[dreg:$0x3] =	wrdreg s4  }
0xaa: {  	[dreg:$0x4] =	wrdreg $0xC0  }
0xab: {  	_ =	task [dreg:s6], $0x5FFFF  }
0xac: {  	[dreg:$0x1] =	wrdreg $0xFFFFFFFF  }
0xad: {  	[dreg:$0x0] =	wrdreg $0x60  }
0xae: {  	[dreg:$0x2] =	wrdreg s24  }
0xaf: {  	[dreg:$0x3] =	wrdreg $0x90000  }
0xb0: {  	[dreg:$0x4] =	wrdreg $0x9  }
0xb1: {  	_ =	task.clear_ibuf [dreg:s6], $0x5FFFF;
	_ =	strace $0x90000049  }
0xb2: {  	s29 =	simm.s32 $0x9;
	_ =	strace $0x8000004B  }
0xb3: {  	_ =	swait.ge [sflag:s29], $0x1  }
0xb4: {  	[sflag:s29] =	ssyncadd.s32 $0xFFFFFFFF  }
0xb5: {  	_ =	strace $0x9000004B  }
0xb6: {  	_ =	sfence  }
0xb7: {  	s30 =	sld [smem:$0x0];
	_ =	sdelay $0x2  }
0xb8: {  	s31 =	sshll.u32 s1, $0xD;
	s1 =	sshrl.u32 s1, $0x2  }
0xb9: {  	s3 =	sand.u32 $0x4000, s31;
	s1 =	sadd.s32 s1, s30  }
0xba: {  	s0 =	sor.u32 s3, s0;
	s1 =	sshll.u32 s1, $0x11  }
0xbb: {  	s0 =	sor.u32 s1, s0  }
0xbc: {  	s0 =	sadd.s32 $0x8F2B, s0  }
0xbd: {  	[sflag:s0] =	ssyncadd.remote.s32 $0x1  }
0xbe: {  	_ =	sfence.sel $0xFFFF  }
0xbf: {  	[dreg:$0x0] =	wrdreg $0xFFFFFFFF;
	(pc) =	sbr.abs _section_cstart, $3  }
0xc0: {  	[dreg:$0x1] =	wrdreg $0xFFFFFFFF  }
0xc1: {  	_ =	task.clear_ibuf [dreg:s6], $0x2FFFF;
	_ =	strace $0x9FFFFFFF  }
0xc2: {  	(tm) =	ssettm $0x7FFFFFFF  }
0xc3: {  	_ =	shalt  }
tec
execute0_lowered:
.L_overlay_start_1:
0x0: {  	(tag) =	ssettag $0x1  }
0x1: {  	s0 =	srdreg.scid;
	s6 =	rddreg [dreg:$0x0]  }
0x2: {  	s2 =	rddreg [dreg:$0x1];
	s3 =	simm.s32 $0x0;
	s15 =	simm.s32 $0x5000  }
0x3: {  	s16 =	simm.s32 $0x1;
	s5 =	sand.u32 $0x1, s0;
	s0 =	stileid.u32  }
0x4: {  	s17 =	simm.s32 $0x0;
	[smem:$0x7FF] =	sst s3;
	s8 =	smul.u32 $0x2780, s0  }
0x5: {  	s1 =	sshll.u32 s5, $0x4;
	s9 =	smul.u32 $0x27800, s5;
	s5 =	ssub.s32 $0x2, s5  }
0x6: {  	s10 =	smul.u32 $0x4F000, s0;
	s31 =	sshll.u32 s0, $0x6;
	s4 =	sor.u32 s0, s1  }
0x7: {  	s1 =	rddreg [dreg:$0x2];
	_ =	strace $0x8000004A;
	s29 =	sshrl.u32 s5, $0x1  }
0x8: {  	s7 =	smul.u32 $0x500, s4;
	s4 =	sadd.s32 $0xD000, s6;
	s28 =	sadd.s32 s8, s9  }
0x9: {  	s13 =	ssub.s32 s5, s29;
	s30 =	sshrl.u32 s10, $0x2;
	s12 =	sadd.s32 s28, s6  }
0xa: {  	s14 =	sadd.s32 s30, s2;
	s5 =	sadd.s32 s4, s8;
	s10 =	smax.u32 s13, $0x1  }
0xb: {  	s13 =	simm.s32 $0x2800;
	s11 =	sadd.s32 s7, s6;
	s6 =	sor.u32 $0x1C02, s31  }
0xc: {  	s9 =	sadd.s32 $0x69000, s12;
	s12 =	simm.s32 $0x2;
	s7 =	sadd.s32 $0x5F000, s11  }
0xd: {  	s8 =	sadd.s32 $0x3000, s11;
	s11 =	sshrl.u32 s14, $0x3;
	s14 =	simm.s32 $0x80  }
.LBB2_1:
0xe: {  	[spmem:s11], [sflag:s6] =	dma.local [hbm:s5], $0x2780  }
0xf: {  	_ =	swait.ge [sflag:s12], $0x2780  }
0x10: {  	[sflag:s12] =	ssyncset.done $0x0  }
0x11: {  	[sflag:s12] =	ssyncadd.s32 $0xFFFFD880  }
0x12: {  	[tilespmem:s3], [sflag:$0x2] =	stream.linear.gather [hbm4b:s7+s3], $0x2780, $0x38;
	[tilespmem:$0x1CC00] =	vst v63  }
0x13: {  	_ =	swait.ge [sflag:s12], $0x2780  }
0x14: {  	[sflag:s12] =	ssyncset.done $0x0  }
0x15: {  	[sflag:s12] =	ssyncadd.s32 $0xFFFFD880  }
0x16: {  	[tilespmem:s13], [sflag:$0x2] =	stream.linear.gather [hbm4b:s8+s3], $0x2780, $0x38;
	[tilespmem:$0x1CC00] =	vst v63  }
0x17: {  	_ =	swait.ge [sflag:s12], $0x2780  }
0x18: {  	[sflag:s12] =	ssyncset.done $0x0  }
0x19: {  	[sflag:s12] =	ssyncadd.s32 $0xFFFFD880  }
0x1a: {  	s18 =	simm.s32 $0x0;
	[bflag:$0x0] =	sbarrier.arrive $0xFFFF  }
0x1b: {  	[tilespmem:s15], [sflag:$0x1] =	stream.indirect.gather [hbm4b:s4+s14], $0x80, s18, s14, $0xb8;
	[tilespmem:$0x1CC00] =	vst v63  }
0x1c: {  	_ =	swait.ge [sflag:s16], $0x4000  }
0x1d: {  	[sflag:s16] =	ssyncset.done $0x0  }
0x1e: {  	s31 =	simm.s32 $0x2800;
	[sflag:s16] =	ssyncadd.s32 $0xFFFFC000  }
0x1f: {  	[spmem:s2] =	stream.indirect.scatter.add.f32 [tilespmem:s15], [sflag:$0x2], $0x80, s31, s14, $0xb8;
	[tilespmem:$0x1CC00] =	vst v63  }
0x20: {  	_ =	swait.ge [sflag:s12], $0x4000  }
0x21: {  	s19 =	simm.s32 $0x400;
	s18 =	simm.s32 $0x200;
	[sflag:s12] =	ssyncset.done $0x0  }
.LBB2_2:
0x22: {  	s20 =	sshra.s32 s18, $0x2  }
0x23: {  	[sflag:s12] =	ssyncadd.s32 $0xFFFFC000;
	s18 =	smov.u32 s19;
	s21 =	sadd.s32 $0x200, s19  }
0x24: {  	[tilespmem:s15], [sflag:$0x1] =	stream.indirect.gather [hbm4b:s4+s14], $0x80, s20, s14, $0xb8;
	[tilespmem:$0x1CC00] =	vst v63  }
0x25: {  	p0 =	sne.s32 s19, $0x9C00;
	_ =	swait.ge [sflag:s16], $0x4000  }
.Ltmp0:
0x26: {  	[sflag:s16] =	ssyncset.done $0x0;
	(pc) =	sbr.rel @p0 .LBB2_2-.Ltmp0, $4  }
0x27: {  	s19 =	sadd.s32 $0x2800, s20;
	[sflag:s16] =	ssyncadd.s32 $0xFFFFC000  }
0x28: {  	[spmem:s2] =	stream.indirect.scatter.add.f32 [tilespmem:s15], [sflag:$0x2], $0x80, s19, s14, $0xb8;
	[tilespmem:$0x1CC00] =	vst v63  }
0x29: {  	_ =	swait.ge [sflag:s12], $0x4000  }
0x2a: {  	s19 =	smov.u32 s21;
	[sflag:s12] =	ssyncset.done $0x0  }
0x2b: {  	s18 =	sshra.s32 s18, $0x2;
	[sflag:s12] =	ssyncadd.s32 $0xFFFFC000  }
0x2c: {  	[tilespmem:s15], [sflag:$0x1] =	stream.indirect.gather [hbm4b:s4+s14], $0x80, s18, s14, $0xb8;
	[tilespmem:$0x1CC00] =	vst v63  }
0x2d: {  	_ =	swait.ge [sflag:s16], $0x4000  }
0x2e: {  	[sflag:s16] =	ssyncset.done $0x0  }
0x2f: {  	s18 =	sadd.s32 $0x2800, s18;
	[sflag:s16] =	ssyncadd.s32 $0xFFFFC000  }
0x30: {  	[spmem:s2] =	stream.indirect.scatter.add.f32 [tilespmem:s15], [sflag:$0x2], $0x80, s18, s14, $0xb8;
	[tilespmem:$0x1CC00] =	vst v63  }
0x31: {  	_ =	swait.ge [sflag:s12], $0x4000  }
0x32: {  	s17 =	sadd.s32 $0x1, s17;
	[sflag:s12] =	ssyncset.done $0x0  }
0x33: {  	p0 =	sne.s32 s17, s10;
	[sflag:s12] =	ssyncadd.s32 $0xFFFFC000  }
.Ltmp1:
0x34: {  	[bflag:$0x0] =	sbarrier.arrive $0xFFFF;
	(pc) =	sbr.rel @p0 .LBB2_1-.Ltmp1, $4  }
0x35: {  	[hbm:s9], [sflag:s6] =	dma.local [spmem:s11], $0x2780  }
0x36: {  	_ =	swait.ge [sflag:s12], $0x2780  }
0x37: {  	[sflag:s12] =	ssyncset.done $0x0  }
0x38: {  	[sflag:s12] =	ssyncadd.s32 $0xFFFFD880  }
0x39: {  	_ =	sfence.sel $0x180000  }
0x3a: {  	[bflag:$0x0] =	sbarrier.arrive $0xFFFF  }
0x3b: {  	p0 =	sne.s32 s0, $0x0;
	_ =	strace $0x9000004A  }
0x3c: {  	s0 =	sadd.s32 @!p0 $0x100000, s1;
	[bflag:$0x2] =	sbarrier.arrive $0xFFFF  }
0x3d: {  	[sflag:s0] =	ssyncadd.tile.s32 @!p0 $0x1;
	_ =	shalt  }
.Lfunc_end2:
_tile_overlayer_lowered:
.L_overlay_start_2:
0x3e: {  	(tag) =	ssettag $0x2  }
0x3f: {  	s0 =	rddreg [dreg:$0x0];
	s2 =	stileid.u32  }
0x40: {  	s1 =	rddreg [dreg:$0x1];
	p0 =	sne.s32 s2, $0x0  }
0x41: {  	s3 =	rddreg [dreg:$0x2];
	[bflag:$0x3] =	sbarrier.arrive $0xFFFF;
	s2 =	simm.s32 @!p0 $0x1C02  }
0x42: {  	[timem:s3], [sflag:s2] =	dma.local @!p0 [hbm:s0], s1  }
0x43: {  	s0 =	simm.s32 @!p0 $0x2  }
0x44: {  	_ =	swait.ge @!p0 [sflag:s0], s1  }
0x45: {  	s1 =	ssub.s32 @!p0 $0x0, s1;
	[sflag:s0] =	ssyncset.done @!p0 $0x0  }
0x46: {  	[sflag:s0] =	ssyncadd.s32 @!p0 s1  }
0x47: {  	[bflag:$0x3] =	sbarrier.arrive $0xFFFF  }
0x48: {  	_ =	shalt  }

// kernel: kernel.14.cloned.1.call-start
scs
__scs_entry_jumppad:
0x0: {  	(pc) =	sbr.rel $0x88, $3  }
0x1: {  	(tag) =	ssettag $0x0;
	lr =	simm.s32 $0x1  }
0x2: {  	[smem:$0x3F96] =	sst lr;
	_ =	strace $0xD0000000  }
0x3: {  	_ = 	snop  }
0x4: {  	_ = 	snop  }
0x5: {  	_ = 	snop  }
0x6: {  	_ = 	snop  }
0x7: {  	_ = 	snop  }
__scs_overlays_trampoline_lowered:
0x8: {  	[smem:$0x3FA5] =	sst s0  }
0x9: {  	[smem:$0x3FA6] =	sst s1  }
0xa: {  	[smem:$0x3FA7] =	sst s2  }
0xb: {  	[smem:$0x3FA8] =	sst s3  }
0xc: {  	[smem:$0x3FA9] =	sst s4  }
0xd: {  	[smem:$0x3FAA] =	sst s5  }
0xe: {  	[smem:$0x3FAB] =	sst s6  }
0xf: {  	[smem:$0x3FAC] =	sst s7  }
0x10: {  	[smem:$0x3FAD] =	sst s8  }
0x11: {  	[smem:$0x3FAE] =	sst s9;
	s0 =	simm.s32 @!p0 $0x0  }
0x12: {  	s1 =	sld [smem:$0x3F94];
	s0 =	simm.s32 @p0 $0x1  }
0x13: {  	[smem:$0x3FAF] =	sst s0;
	s0 =	simm.s32 @!p1 $0x0  }
0x14: {  	s2 =	sld [smem:$0x3F93];
	s0 =	simm.s32 @p1 $0x1  }
0x15: {  	[smem:$0x3FB0] =	sst s0;
	s0 =	simm.s32 @!p2 $0x0  }
0x16: {  	s3 =	sld [smem:$0x3FDB];
	s0 =	simm.s32 @p2 $0x1  }
0x17: {  	s4 =	simm.s32 $0x1BF5;
	[smem:$0x3FB2] =	sst s0  }
0x18: {  	s0 =	sld [smem:$0x3F95];
	_ =	swait.ge [sflag:s4], $0x0  }
0x19: {  	s7 =	sld [smem:$0x3F96]  }
0x1a: {  	s8 =	sadd.s32 $0xFFFFE003, lr  }
0x1b: {  	s9 =	sadd.s32 $0xFFFFFEF7, lr;
	s5 =	simm.s32 $0xFFFFFFFF;
	p2 =	slt.u32 s8, $0xFFFFF086  }
0x1c: {  	p1 =	slt.u32 s9, $0xF7A;
	s5 =	simm.s32 @!p2 $0x0  }
0x1d: {  	s5 =	simm.s32 @p1 $0x1;
	p0 =	seq.s32 s7, s2  }
0x1e: {  	s7 =	smul.u32 @!p0 $0xF7A, s2;
	p2 =	seq.s32 @!p0 s5, $0x0  }
0x1f: {  	s9 =	smul.u32 $0xF7A, s1;
	s8 =	simm.s32 @!p0 $0x1BF5;
	p2 =	por !p2, p0  }
0x20: {  	[sflag:s8] =	ssyncset.s32 @!p0 $0xFFFFF086;
	s6 =	sadd.s32 @!p0 s3, s7;
	s7 =	simm.s32 @!p0 $0x108  }
0x21: {  	s3 =	sadd.s32 s3, s9;
	s6 =	sadd.s32 @!p0 $0x88, s6;
	s7 =	simm.s32 @p2 $0x1082  }
0x22: {  	[simem:s7], [sflag:s8] =	dma.local @!p0 [hbm:s6], $0xF7A  }
0x23: {  	s9 =	sor.u32 $0xD0000000, s2;
	s6 =	simm.s32 $0x108;
	_ =	swait.ge @!p0 [sflag:s8], $0x0  }
0x24: {  	s3 =	sadd.s32 $0x88, s3;
	s6 =	simm.s32 @!p1 $0x1082;
	[sflag:s4] =	ssyncset.s32 $0xFFFFF086  }
0x25: {  	[simem:s6], [sflag:s4] =	dma.local [hbm:s3], $0xF7A  }
0x26: {  	[smem:$0x3F96] =	sst s1;
	(tag) =	ssettag s2;
	_ =	strace s9  }
0x27: {  	s1 =	sld [smem:$0x3FA6]  }
0x28: {  	s2 =	sld [smem:$0x3FA7]  }
0x29: {  	s4 =	sld [smem:$0x3FA9]  }
0x2a: {  	p0 =	seq.s32 s5, $0x0;
	s5 =	sld [smem:$0x3FAA]  }
0x2b: {  	s6 =	sld [smem:$0x3FAB]  }
0x2c: {  	s7 =	sld [smem:$0x3FAC]  }
0x2d: {  	s3 =	simm.s32 $0x108;
	s8 =	sld [smem:$0x3FAD]  }
0x2e: {  	s3 =	simm.s32 @!p0 $0x1082;
	s9 =	sld [smem:$0x3FAE]  }
0x2f: {  	lr =	sadd.s32 s0, s3;
	s0 =	sld [smem:$0x3FA5]  }
0x30: {  	s3 =	sld [smem:$0x3FA8]  }
0x31: {  	[smem:$0x3FB1] =	sst s10  }
0x32: {  	s10 =	sld [smem:$0x3FAF];
	_ =	sdelay $0x3  }
0x33: {  	p0 =	seq.s32 s10, $0x1;
	s10 =	sld [smem:$0x3FB1];
	_ =	sdelay $0x3  }
0x34: {  	[smem:$0x3FB1] =	sst s10  }
0x35: {  	s10 =	sld [smem:$0x3FB0];
	_ =	sdelay $0x3  }
0x36: {  	p1 =	seq.s32 s10, $0x1;
	s10 =	sld [smem:$0x3FB1];
	_ =	sdelay $0x3  }
0x37: {  	[smem:$0x3FB1] =	sst s10  }
0x38: {  	s10 =	sld [smem:$0x3FB2]  }
0x39: {  	_ = 	snop;
	(pc) =	sbr.ind lr, $3  }
0x3a: {  	_ = 	snop  }
0x3b: {  	_ = 	snop  }
0x3c: {  	p2 =	seq.s32 s10, $0x1;
	s10 =	sld [smem:$0x3FB1]  }
0x3d: {  	_ =	shalt  }
0x3e: {  	_ =	shalt  }
0x3f: {  	_ =	shalt  }
0x40: {  	_ =	shalt  }
0x41: {  	_ =	shalt  }
0x42: {  	_ =	shalt  }
0x43: {  	_ =	shalt  }
0x44: {  	_ =	shalt  }
0x45: {  	_ =	shalt  }
0x46: {  	_ =	shalt  }
0x47: {  	_ =	shalt  }
0x48: {  	_ =	shalt  }
0x49: {  	_ =	shalt  }
0x4a: {  	_ =	shalt  }
0x4b: {  	_ =	shalt  }
0x4c: {  	_ =	shalt  }
0x4d: {  	_ =	shalt  }
0x4e: {  	_ =	shalt  }
0x4f: {  	_ =	shalt  }
0x50: {  	_ =	shalt  }
0x51: {  	_ =	shalt  }
0x52: {  	_ =	shalt  }
0x53: {  	_ =	shalt  }
0x54: {  	_ =	shalt  }
0x55: {  	_ =	shalt  }
0x56: {  	_ =	shalt  }
0x57: {  	_ =	shalt  }
0x58: {  	_ =	shalt  }
0x59: {  	_ =	shalt  }
0x5a: {  	_ =	shalt  }
0x5b: {  	_ =	shalt  }
0x5c: {  	_ =	shalt  }
0x5d: {  	_ =	shalt  }
0x5e: {  	_ =	shalt  }
0x5f: {  	_ =	shalt  }
0x60: {  	_ =	shalt  }
0x61: {  	_ =	shalt  }
0x62: {  	_ =	shalt  }
0x63: {  	_ =	shalt  }
0x64: {  	_ =	shalt  }
0x65: {  	_ =	shalt  }
0x66: {  	_ =	shalt  }
0x67: {  	_ =	shalt  }
0x68: {  	_ =	shalt  }
0x69: {  	_ =	shalt  }
0x6a: {  	_ =	shalt  }
0x6b: {  	_ =	shalt  }
0x6c: {  	_ =	shalt  }
0x6d: {  	_ =	shalt  }
0x6e: {  	_ =	shalt  }
0x6f: {  	_ =	shalt  }
0x70: {  	_ =	shalt  }
0x71: {  	_ =	shalt  }
0x72: {  	_ =	shalt  }
0x73: {  	_ =	shalt  }
0x74: {  	_ =	shalt  }
0x75: {  	_ =	shalt  }
0x76: {  	_ =	shalt  }
0x77: {  	_ =	shalt  }
0x78: {  	_ =	shalt  }
0x79: {  	_ =	shalt  }
0x7a: {  	_ =	shalt  }
0x7b: {  	_ =	shalt  }
0x7c: {  	_ =	shalt  }
0x7d: {  	_ =	shalt  }
0x7e: {  	_ =	shalt  }
0x7f: {  	_ =	shalt  }
0x80: {  	_ =	shalt  }
0x81: {  	_ =	shalt  }
0x82: {  	_ =	shalt  }
0x83: {  	_ =	shalt  }
0x84: {  	_ =	shalt  }
0x85: {  	_ =	shalt  }
0x86: {  	_ =	shalt  }
0x87: {  	_ =	shalt  }
.Lfunc_end0:
.L_simem_size_0:
called_computation.2_lowered:
.L_overlay_start_0:
0x88: {  	s2 =	sld [smem:$0x3FD9]  }
0x89: {  	s3 =	sld [smem:$0x3FFE];
	_ =	sdelay $0x1  }
0x8a: {  	s1 =	srdreg.scid  }
0x8b: {  	s0 =	sand.u32 $0x1, s1  }
0x8c: {  	s16 =	sshll.u32 s0, $0xA;
	s2 =	sadd.s32 s3, s2  }
0x8d: {  	s2 =	sadd.s32 s2, s16  }
0x8e: {  	[smem:$0x3FBD] =	sst s2  }
0x8f: {  	_ = 	snop  }
0x90: {  	(tm) =	ssettm $0x1  }
0x91: {  	s17 =	sld [smem:$0x3FFB];
	_ =	sdelay $0x3  }
0x92: {  	_ =	strace s17  }
0x93: {  	s2 =	sld [smem:$0x3FFC];
	_ =	sdelay $0x3  }
0x94: {  	_ =	strace s2  }
0x95: {  	s2 =	sld [smem:$0x3FFD];
	_ =	sdelay $0x3  }
0x96: {  	_ =	strace s2  }
0x97: {  	_ =	strace $0x8FFFFFFF  }
0x98: {  	s18 =	sld [smem:$0x3FDB];
	_ =	sdelay $0x1  }
0x99: {  	s19 =	simm.s32 $_scs_section_size  }
0x9a: {  	s4 =	simm.s32 $_size__tile_overlayer_lowered;
	s5 =	simm.s32 $_tile_overlayer_lowered  }
0x9b: {  	s22 =	simm.s32 $0x1BFF;
	s21 =	sshll.u32 s5, $0x1;
	s2 =	sadd.s32 s19, s18  }
0x9c: {  	s6 =	simm.s32 $0x0;
	s20 =	sshll.u32 s4, $0x1;
	s4 =	sadd.s32 s21, s2  }
0x9d: {  	[timem:s6], [sflag:s22] =	dma.local [hbm:s4], s20  }
0x9e: {  	_ =	swait.ge [sflag:s22], s20  }
0x9f: {  	s3 =	ssub.s32 $0x0, s20;
	[sflag:s22] =	ssyncset.done $0x0  }
0xa0: {  	[sflag:s22] =	ssyncadd.s32 s3;
	_ =	sdelay $0x1  }
0xa1: {  	s23 =	simm.s32 $0x1B8B  }
0xa2: {  	_ =	swait.ge [sflag:s23], $0x1  }
0xa3: {  	[sflag:s23] =	ssyncset.done $0x0  }
0xa4: {  	s25 =	simm.s32 $0x1B8E;
	s24 =	sld [smem:$0x3FFE];
	[sflag:s23] =	ssyncadd.s32 $0xFFFFFFFF  }
0xa5: {  	s26 =	simm.s32 $execute0_lowered;
	[smem:$0x3FD2] =	sst s25  }
0xa6: {  	s4 =	sshll.u32 s26, $0x1;
	_ =	strace $0x8000004C;
	[dreg:$0x1] =	wrdreg $0xFFFFFFFF  }
0xa7: {  	s28 =	simm.s32 $_size_execute0_lowered;
	s2 =	sadd.s32 s2, s4;
	[dreg:$0x0] =	wrdreg $0x0  }
0xa8: {  	s4 =	sshll.u32 s28, $0x1;
	[dreg:$0x2] =	wrdreg s2  }
0xa9: {  	[dreg:$0x3] =	wrdreg s4  }
0xaa: {  	[dreg:$0x4] =	wrdreg $0xC0  }
0xab: {  	_ =	task [dreg:s6], $0x5FFFF  }
0xac: {  	[dreg:$0x1] =	wrdreg $0xFFFFFFFF  }
0xad: {  	[dreg:$0x0] =	wrdreg $0x60  }
0xae: {  	[dreg:$0x2] =	wrdreg s24  }
0xaf: {  	[dreg:$0x3] =	wrdreg $0x90000  }
0xb0: {  	[dreg:$0x4] =	wrdreg $0x9  }
0xb1: {  	_ =	task.clear_ibuf [dreg:s6], $0x5FFFF;
	_ =	strace $0x9000004C  }
0xb2: {  	s29 =	simm.s32 $0x9;
	_ =	strace $0x8000004E  }
0xb3: {  	_ =	swait.ge [sflag:s29], $0x1  }
0xb4: {  	[sflag:s29] =	ssyncadd.s32 $0xFFFFFFFF  }
0xb5: {  	_ =	strace $0x9000004E  }
0xb6: {  	_ =	sfence  }
0xb7: {  	s30 =	sld [smem:$0x0];
	_ =	sdelay $0x2  }
0xb8: {  	s31 =	sshll.u32 s1, $0xD;
	s1 =	sshrl.u32 s1, $0x2  }
0xb9: {  	s3 =	sand.u32 $0x4000, s31;
	s1 =	sadd.s32 s1, s30  }
0xba: {  	s0 =	sor.u32 s3, s0;
	s1 =	sshll.u32 s1, $0x11  }
0xbb: {  	s0 =	sor.u32 s1, s0  }
0xbc: {  	s0 =	sadd.s32 $0x8F2B, s0  }
0xbd: {  	[sflag:s0] =	ssyncadd.remote.s32 $0x1  }
0xbe: {  	_ =	sfence.sel $0xFFFF  }
0xbf: {  	[dreg:$0x0] =	wrdreg $0xFFFFFFFF;
	(pc) =	sbr.abs _section_cstart, $3  }
0xc0: {  	[dreg:$0x1] =	wrdreg $0xFFFFFFFF  }
0xc1: {  	_ =	task.clear_ibuf [dreg:s6], $0x2FFFF;
	_ =	strace $0x9FFFFFFF  }
0xc2: {  	(tm) =	ssettm $0x7FFFFFFF  }
0xc3: {  	_ =	shalt  }
tec
execute0_lowered:
.L_overlay_start_1:
0x0: {  	(tag) =	ssettag $0x1  }
0x1: {  	s0 =	srdreg.scid;
	s6 =	rddreg [dreg:$0x0]  }
0x2: {  	s2 =	rddreg [dreg:$0x1];
	s3 =	simm.s32 $0x0;
	s15 =	simm.s32 $0x5000  }
0x3: {  	s16 =	simm.s32 $0x1;
	s5 =	sand.u32 $0x1, s0;
	s0 =	stileid.u32  }
0x4: {  	s17 =	simm.s32 $0x0;
	[smem:$0x7FF] =	sst s3;
	s8 =	smul.u32 $0x2780, s0  }
0x5: {  	s1 =	sshll.u32 s5, $0x4;
	s9 =	smul.u32 $0x27800, s5;
	s5 =	ssub.s32 $0x2, s5  }
0x6: {  	s10 =	smul.u32 $0x4F000, s0;
	s31 =	sshll.u32 s0, $0x6;
	s4 =	sor.u32 s0, s1  }
0x7: {  	s1 =	rddreg [dreg:$0x2];
	_ =	strace $0x8000004D;
	s29 =	sshrl.u32 s5, $0x1  }
0x8: {  	s7 =	smul.u32 $0x500, s4;
	s4 =	sadd.s32 $0xD000, s6;
	s28 =	sadd.s32 s8, s9  }
0x9: {  	s13 =	ssub.s32 s5, s29;
	s30 =	sshrl.u32 s10, $0x2;
	s12 =	sadd.s32 s28, s6  }
0xa: {  	s14 =	sadd.s32 s30, s2;
	s5 =	sadd.s32 s4, s8;
	s10 =	smax.u32 s13, $0x1  }
0xb: {  	s13 =	simm.s32 $0x2800;
	s11 =	sadd.s32 s7, s6;
	s6 =	sor.u32 $0x1C02, s31  }
0xc: {  	s9 =	sadd.s32 $0x69000, s12;
	s12 =	simm.s32 $0x2;
	s7 =	sadd.s32 $0x5F000, s11  }
0xd: {  	s8 =	sadd.s32 $0x3000, s11;
	s11 =	sshrl.u32 s14, $0x3;
	s14 =	simm.s32 $0x80  }
.LBB2_1:
0xe: {  	[spmem:s11], [sflag:s6] =	dma.local [hbm:s5], $0x2780  }
0xf: {  	_ =	swait.ge [sflag:s12], $0x2780  }
0x10: {  	[sflag:s12] =	ssyncset.done $0x0  }
0x11: {  	[sflag:s12] =	ssyncadd.s32 $0xFFFFD880  }
0x12: {  	[tilespmem:s3], [sflag:$0x2] =	stream.linear.gather [hbm4b:s7+s3], $0x2780, $0x38;
	[tilespmem:$0x1CC00] =	vst v63  }
0x13: {  	_ =	swait.ge [sflag:s12], $0x2780  }
0x14: {  	[sflag:s12] =	ssyncset.done $0x0  }
0x15: {  	[sflag:s12] =	ssyncadd.s32 $0xFFFFD880  }
0x16: {  	[tilespmem:s13], [sflag:$0x2] =	stream.linear.gather [hbm4b:s8+s3], $0x2780, $0x38;
	[tilespmem:$0x1CC00] =	vst v63  }
0x17: {  	_ =	swait.ge [sflag:s12], $0x2780  }
0x18: {  	[sflag:s12] =	ssyncset.done $0x0  }
0x19: {  	[sflag:s12] =	ssyncadd.s32 $0xFFFFD880  }
0x1a: {  	s18 =	simm.s32 $0x0;
	[bflag:$0x0] =	sbarrier.arrive $0xFFFF  }
0x1b: {  	[tilespmem:s15], [sflag:$0x1] =	stream.indirect.gather [hbm4b:s4+s14], $0x80, s18, s14, $0xb8;
	[tilespmem:$0x1CC00] =	vst v63  }
0x1c: {  	_ =	swait.ge [sflag:s16], $0x4000  }
0x1d: {  	[sflag:s16] =	ssyncset.done $0x0  }
0x1e: {  	s31 =	simm.s32 $0x2800;
	[sflag:s16] =	ssyncadd.s32 $0xFFFFC000  }
0x1f: {  	[spmem:s2] =	stream.indirect.scatter.add.f32 [tilespmem:s15], [sflag:$0x2], $0x80, s31, s14, $0xb8;
	[tilespmem:$0x1CC00] =	vst v63  }
0x20: {  	_ =	swait.ge [sflag:s12], $0x4000  }
0x21: {  	s19 =	simm.s32 $0x400;
	s18 =	simm.s32 $0x200;
	[sflag:s12] =	ssyncset.done $0x0  }
.LBB2_2:
0x22: {  	s20 =	sshra.s32 s18, $0x2  }
0x23: {  	[sflag:s12] =	ssyncadd.s32 $0xFFFFC000;
	s18 =	smov.u32 s19;
	s21 =	sadd.s32 $0x200, s19  }
0x24: {  	[tilespmem:s15], [sflag:$0x1] =	stream.indirect.gather [hbm4b:s4+s14], $0x80, s20, s14, $0xb8;
	[tilespmem:$0x1CC00] =	vst v63  }
0x25: {  	p0 =	sne.s32 s19, $0x9C00;
	_ =	swait.ge [sflag:s16], $0x4000  }
.Ltmp0:
0x26: {  	[sflag:s16] =	ssyncset.done $0x0;
	(pc) =	sbr.rel @p0 .LBB2_2-.Ltmp0, $4  }
0x27: {  	s19 =	sadd.s32 $0x2800, s20;
	[sflag:s16] =	ssyncadd.s32 $0xFFFFC000  }
0x28: {  	[spmem:s2] =	stream.indirect.scatter.add.f32 [tilespmem:s15], [sflag:$0x2], $0x80, s19, s14, $0xb8;
	[tilespmem:$0x1CC00] =	vst v63  }
0x29: {  	_ =	swait.ge [sflag:s12], $0x4000  }
0x2a: {  	s19 =	smov.u32 s21;
	[sflag:s12] =	ssyncset.done $0x0  }
0x2b: {  	s18 =	sshra.s32 s18, $0x2;
	[sflag:s12] =	ssyncadd.s32 $0xFFFFC000  }
0x2c: {  	[tilespmem:s15], [sflag:$0x1] =	stream.indirect.gather [hbm4b:s4+s14], $0x80, s18, s14, $0xb8;
	[tilespmem:$0x1CC00] =	vst v63  }
0x2d: {  	_ =	swait.ge [sflag:s16], $0x4000  }
0x2e: {  	[sflag:s16] =	ssyncset.done $0x0  }
0x2f: {  	s18 =	sadd.s32 $0x2800, s18;
	[sflag:s16] =	ssyncadd.s32 $0xFFFFC000  }
0x30: {  	[spmem:s2] =	stream.indirect.scatter.add.f32 [tilespmem:s15], [sflag:$0x2], $0x80, s18, s14, $0xb8;
	[tilespmem:$0x1CC00] =	vst v63  }
0x31: {  	_ =	swait.ge [sflag:s12], $0x4000  }
0x32: {  	s17 =	sadd.s32 $0x1, s17;
	[sflag:s12] =	ssyncset.done $0x0  }
0x33: {  	p0 =	sne.s32 s17, s10;
	[sflag:s12] =	ssyncadd.s32 $0xFFFFC000  }
.Ltmp1:
0x34: {  	[bflag:$0x0] =	sbarrier.arrive $0xFFFF;
	(pc) =	sbr.rel @p0 .LBB2_1-.Ltmp1, $4  }
0x35: {  	[hbm:s9], [sflag:s6] =	dma.local [spmem:s11], $0x2780  }
0x36: {  	_ =	swait.ge [sflag:s12], $0x2780  }
0x37: {  	[sflag:s12] =	ssyncset.done $0x0  }
0x38: {  	[sflag:s12] =	ssyncadd.s32 $0xFFFFD880  }
0x39: {  	_ =	sfence.sel $0x180000  }
0x3a: {  	[bflag:$0x0] =	sbarrier.arrive $0xFFFF  }
0x3b: {  	p0 =	sne.s32 s0, $0x0;
	_ =	strace $0x9000004D  }
0x3c: {  	s0 =	sadd.s32 @!p0 $0x100000, s1;
	[bflag:$0x2] =	sbarrier.arrive $0xFFFF  }
0x3d: {  	[sflag:s0] =	ssyncadd.tile.s32 @!p0 $0x1;
	_ =	shalt  }
.Lfunc_end2:
_tile_overlayer_lowered:
.L_overlay_start_2:
0x3e: {  	(tag) =	ssettag $0x2  }
0x3f: {  	s0 =	rddreg [dreg:$0x0];
	s2 =	stileid.u32  }
0x40: {  	s1 =	rddreg [dreg:$0x1];
	p0 =	sne.s32 s2, $0x0  }
0x41: {  	s3 =	rddreg [dreg:$0x2];
	[bflag:$0x3] =	sbarrier.arrive $0xFFFF;
	s2 =	simm.s32 @!p0 $0x1C02  }
0x42: {  	[timem:s3], [sflag:s2] =	dma.local @!p0 [hbm:s0], s1  }
0x43: {  	s0 =	simm.s32 @!p0 $0x2  }
0x44: {  	_ =	swait.ge @!p0 [sflag:s0], s1  }
0x45: {  	s1 =	ssub.s32 @!p0 $0x0, s1;
	[sflag:s0] =	ssyncset.done @!p0 $0x0  }
0x46: {  	[sflag:s0] =	ssyncadd.s32 @!p0 s1  }
0x47: {  	[bflag:$0x3] =	sbarrier.arrive $0xFFFF  }
0x48: {  	_ =	shalt  }

// kernel: kernel.8.cloned.1.call-start
scs
__scs_entry_jumppad:
0x0: {  	(pc) =	sbr.rel $0x88, $3  }
0x1: {  	(tag) =	ssettag $0x0;
	lr =	simm.s32 $0x1  }
0x2: {  	[smem:$0x3F96] =	sst lr;
	_ =	strace $0xD0000000  }
0x3: {  	_ = 	snop  }
0x4: {  	_ = 	snop  }
0x5: {  	_ = 	snop  }
0x6: {  	_ = 	snop  }
0x7: {  	_ = 	snop  }
__scs_overlays_trampoline_lowered:
0x8: {  	[smem:$0x3FA5] =	sst s0  }
0x9: {  	[smem:$0x3FA6] =	sst s1  }
0xa: {  	[smem:$0x3FA7] =	sst s2  }
0xb: {  	[smem:$0x3FA8] =	sst s3  }
0xc: {  	[smem:$0x3FA9] =	sst s4  }
0xd: {  	[smem:$0x3FAA] =	sst s5  }
0xe: {  	[smem:$0x3FAB] =	sst s6  }
0xf: {  	[smem:$0x3FAC] =	sst s7  }
0x10: {  	[smem:$0x3FAD] =	sst s8  }
0x11: {  	[smem:$0x3FAE] =	sst s9;
	s0 =	simm.s32 @!p0 $0x0  }
0x12: {  	s1 =	sld [smem:$0x3F94];
	s0 =	simm.s32 @p0 $0x1  }
0x13: {  	[smem:$0x3FAF] =	sst s0;
	s0 =	simm.s32 @!p1 $0x0  }
0x14: {  	s2 =	sld [smem:$0x3F93];
	s0 =	simm.s32 @p1 $0x1  }
0x15: {  	[smem:$0x3FB0] =	sst s0;
	s0 =	simm.s32 @!p2 $0x0  }
0x16: {  	s3 =	sld [smem:$0x3FDB];
	s0 =	simm.s32 @p2 $0x1  }
0x17: {  	s4 =	simm.s32 $0x1BF5;
	[smem:$0x3FB2] =	sst s0  }
0x18: {  	s0 =	sld [smem:$0x3F95];
	_ =	swait.ge [sflag:s4], $0x0  }
0x19: {  	s7 =	sld [smem:$0x3F96]  }
0x1a: {  	s8 =	sadd.s32 $0xFFFFE003, lr  }
0x1b: {  	s9 =	sadd.s32 $0xFFFFFEF7, lr;
	s5 =	simm.s32 $0xFFFFFFFF;
	p2 =	slt.u32 s8, $0xFFFFF086  }
0x1c: {  	p1 =	slt.u32 s9, $0xF7A;
	s5 =	simm.s32 @!p2 $0x0  }
0x1d: {  	s5 =	simm.s32 @p1 $0x1;
	p0 =	seq.s32 s7, s2  }
0x1e: {  	s7 =	smul.u32 @!p0 $0xF7A, s2;
	p2 =	seq.s32 @!p0 s5, $0x0  }
0x1f: {  	s9 =	smul.u32 $0xF7A, s1;
	s8 =	simm.s32 @!p0 $0x1BF5;
	p2 =	por !p2, p0  }
0x20: {  	[sflag:s8] =	ssyncset.s32 @!p0 $0xFFFFF086;
	s6 =	sadd.s32 @!p0 s3, s7;
	s7 =	simm.s32 @!p0 $0x108  }
0x21: {  	s3 =	sadd.s32 s3, s9;
	s6 =	sadd.s32 @!p0 $0x88, s6;
	s7 =	simm.s32 @p2 $0x1082  }
0x22: {  	[simem:s7], [sflag:s8] =	dma.local @!p0 [hbm:s6], $0xF7A  }
0x23: {  	s9 =	sor.u32 $0xD0000000, s2;
	s6 =	simm.s32 $0x108;
	_ =	swait.ge @!p0 [sflag:s8], $0x0  }
0x24: {  	s3 =	sadd.s32 $0x88, s3;
	s6 =	simm.s32 @!p1 $0x1082;
	[sflag:s4] =	ssyncset.s32 $0xFFFFF086  }
0x25: {  	[simem:s6], [sflag:s4] =	dma.local [hbm:s3], $0xF7A  }
0x26: {  	[smem:$0x3F96] =	sst s1;
	(tag) =	ssettag s2;
	_ =	strace s9  }
0x27: {  	s1 =	sld [smem:$0x3FA6]  }
0x28: {  	s2 =	sld [smem:$0x3FA7]  }
0x29: {  	s4 =	sld [smem:$0x3FA9]  }
0x2a: {  	p0 =	seq.s32 s5, $0x0;
	s5 =	sld [smem:$0x3FAA]  }
0x2b: {  	s6 =	sld [smem:$0x3FAB]  }
0x2c: {  	s7 =	sld [smem:$0x3FAC]  }
0x2d: {  	s3 =	simm.s32 $0x108;
	s8 =	sld [smem:$0x3FAD]  }
0x2e: {  	s3 =	simm.s32 @!p0 $0x1082;
	s9 =	sld [smem:$0x3FAE]  }
0x2f: {  	lr =	sadd.s32 s0, s3;
	s0 =	sld [smem:$0x3FA5]  }
0x30: {  	s3 =	sld [smem:$0x3FA8]  }
0x31: {  	[smem:$0x3FB1] =	sst s10  }
0x32: {  	s10 =	sld [smem:$0x3FAF];
	_ =	sdelay $0x3  }
0x33: {  	p0 =	seq.s32 s10, $0x1;
	s10 =	sld [smem:$0x3FB1];
	_ =	sdelay $0x3  }
0x34: {  	[smem:$0x3FB1] =	sst s10  }
0x35: {  	s10 =	sld [smem:$0x3FB0];
	_ =	sdelay $0x3  }
0x36: {  	p1 =	seq.s32 s10, $0x1;
	s10 =	sld [smem:$0x3FB1];
	_ =	sdelay $0x3  }
0x37: {  	[smem:$0x3FB1] =	sst s10  }
0x38: {  	s10 =	sld [smem:$0x3FB2]  }
0x39: {  	_ = 	snop;
	(pc) =	sbr.ind lr, $3  }
0x3a: {  	_ = 	snop  }
0x3b: {  	_ = 	snop  }
0x3c: {  	p2 =	seq.s32 s10, $0x1;
	s10 =	sld [smem:$0x3FB1]  }
0x3d: {  	_ =	shalt  }
0x3e: {  	_ =	shalt  }
0x3f: {  	_ =	shalt  }
0x40: {  	_ =	shalt  }
0x41: {  	_ =	shalt  }
0x42: {  	_ =	shalt  }
0x43: {  	_ =	shalt  }
0x44: {  	_ =	shalt  }
0x45: {  	_ =	shalt  }
0x46: {  	_ =	shalt  }
0x47: {  	_ =	shalt  }
0x48: {  	_ =	shalt  }
0x49: {  	_ =	shalt  }
0x4a: {  	_ =	shalt  }
0x4b: {  	_ =	shalt  }
0x4c: {  	_ =	shalt  }
0x4d: {  	_ =	shalt  }
0x4e: {  	_ =	shalt  }
0x4f: {  	_ =	shalt  }
0x50: {  	_ =	shalt  }
0x51: {  	_ =	shalt  }
0x52: {  	_ =	shalt  }
0x53: {  	_ =	shalt  }
0x54: {  	_ =	shalt  }
0x55: {  	_ =	shalt  }
0x56: {  	_ =	shalt  }
0x57: {  	_ =	shalt  }
0x58: {  	_ =	shalt  }
0x59: {  	_ =	shalt  }
0x5a: {  	_ =	shalt  }
0x5b: {  	_ =	shalt  }
0x5c: {  	_ =	shalt  }
0x5d: {  	_ =	shalt  }
0x5e: {  	_ =	shalt  }
0x5f: {  	_ =	shalt  }
0x60: {  	_ =	shalt  }
0x61: {  	_ =	shalt  }
0x62: {  	_ =	shalt  }
0x63: {  	_ =	shalt  }
0x64: {  	_ =	shalt  }
0x65: {  	_ =	shalt  }
0x66: {  	_ =	shalt  }
0x67: {  	_ =	shalt  }
0x68: {  	_ =	shalt  }
0x69: {  	_ =	shalt  }
0x6a: {  	_ =	shalt  }
0x6b: {  	_ =	shalt  }
0x6c: {  	_ =	shalt  }
0x6d: {  	_ =	shalt  }
0x6e: {  	_ =	shalt  }
0x6f: {  	_ =	shalt  }
0x70: {  	_ =	shalt  }
0x71: {  	_ =	shalt  }
0x72: {  	_ =	shalt  }
0x73: {  	_ =	shalt  }
0x74: {  	_ =	shalt  }
0x75: {  	_ =	shalt  }
0x76: {  	_ =	shalt  }
0x77: {  	_ =	shalt  }
0x78: {  	_ =	shalt  }
0x79: {  	_ =	shalt  }
0x7a: {  	_ =	shalt  }
0x7b: {  	_ =	shalt  }
0x7c: {  	_ =	shalt  }
0x7d: {  	_ =	shalt  }
0x7e: {  	_ =	shalt  }
0x7f: {  	_ =	shalt  }
0x80: {  	_ =	shalt  }
0x81: {  	_ =	shalt  }
0x82: {  	_ =	shalt  }
0x83: {  	_ =	shalt  }
0x84: {  	_ =	shalt  }
0x85: {  	_ =	shalt  }
0x86: {  	_ =	shalt  }
0x87: {  	_ =	shalt  }
.Lfunc_end0:
.L_simem_size_0:
called_computation_lowered:
.L_overlay_start_0:
0x88: {  	s2 =	sld [smem:$0x3FD9]  }
0x89: {  	s3 =	sld [smem:$0x3FFE];
	_ =	sdelay $0x1  }
0x8a: {  	s1 =	srdreg.scid  }
0x8b: {  	s0 =	sand.u32 $0x1, s1  }
0x8c: {  	s16 =	sshll.u32 s0, $0xA;
	s2 =	sadd.s32 s3, s2  }
0x8d: {  	s2 =	sadd.s32 s2, s16  }
0x8e: {  	[smem:$0x3FBD] =	sst s2  }
0x8f: {  	_ = 	snop  }
0x90: {  	(tm) =	ssettm $0x1  }
0x91: {  	s17 =	sld [smem:$0x3FFB];
	_ =	sdelay $0x3  }
0x92: {  	_ =	strace s17  }
0x93: {  	s2 =	sld [smem:$0x3FFC];
	_ =	sdelay $0x3  }
0x94: {  	_ =	strace s2  }
0x95: {  	s2 =	sld [smem:$0x3FFD];
	_ =	sdelay $0x3  }
0x96: {  	_ =	strace s2  }
0x97: {  	_ =	strace $0x8FFFFFFF  }
0x98: {  	s18 =	sld [smem:$0x3FDB];
	_ =	sdelay $0x1  }
0x99: {  	s19 =	simm.s32 $_scs_section_size  }
0x9a: {  	s4 =	simm.s32 $_size__tile_overlayer_lowered;
	s5 =	simm.s32 $_tile_overlayer_lowered  }
0x9b: {  	s22 =	simm.s32 $0x1BFF;
	s21 =	sshll.u32 s5, $0x1;
	s2 =	sadd.s32 s19, s18  }
0x9c: {  	s6 =	simm.s32 $0x0;
	s20 =	sshll.u32 s4, $0x1;
	s4 =	sadd.s32 s21, s2  }
0x9d: {  	[timem:s6], [sflag:s22] =	dma.local [hbm:s4], s20  }
0x9e: {  	_ =	swait.ge [sflag:s22], s20  }
0x9f: {  	s3 =	ssub.s32 $0x0, s20;
	[sflag:s22] =	ssyncset.done $0x0  }
0xa0: {  	[sflag:s22] =	ssyncadd.s32 s3;
	_ =	sdelay $0x1  }
0xa1: {  	s23 =	simm.s32 $0x1B8B  }
0xa2: {  	_ =	swait.ge [sflag:s23], $0x1  }
0xa3: {  	[sflag:s23] =	ssyncset.done $0x0  }
0xa4: {  	s25 =	simm.s32 $0x1B8E;
	s24 =	sld [smem:$0x3FFE];
	[sflag:s23] =	ssyncadd.s32 $0xFFFFFFFF  }
0xa5: {  	s26 =	simm.s32 $execute0_lowered;
	[smem:$0x3FD2] =	sst s25  }
0xa6: {  	s4 =	sshll.u32 s26, $0x1;
	_ =	strace $0x80000046;
	[dreg:$0x1] =	wrdreg $0xFFFFFFFF  }
0xa7: {  	s28 =	simm.s32 $_size_execute0_lowered;
	s2 =	sadd.s32 s2, s4;
	[dreg:$0x0] =	wrdreg $0x0  }
0xa8: {  	s4 =	sshll.u32 s28, $0x1;
	[dreg:$0x2] =	wrdreg s2  }
0xa9: {  	[dreg:$0x3] =	wrdreg s4  }
0xaa: {  	[dreg:$0x4] =	wrdreg $0xC0  }
0xab: {  	_ =	task [dreg:s6], $0x5FFFF  }
0xac: {  	[dreg:$0x1] =	wrdreg $0xFFFFFFFF  }
0xad: {  	[dreg:$0x0] =	wrdreg $0x60  }
0xae: {  	[dreg:$0x2] =	wrdreg s24  }
0xaf: {  	[dreg:$0x3] =	wrdreg $0x68000  }
0xb0: {  	[dreg:$0x4] =	wrdreg $0x9  }
0xb1: {  	_ =	task.clear_ibuf [dreg:s6], $0x5FFFF;
	_ =	strace $0x90000046  }
0xb2: {  	s29 =	simm.s32 $0x9;
	_ =	strace $0x80000048  }
0xb3: {  	_ =	swait.ge [sflag:s29], $0x1  }
0xb4: {  	[sflag:s29] =	ssyncadd.s32 $0xFFFFFFFF  }
0xb5: {  	_ =	strace $0x90000048  }
0xb6: {  	_ =	sfence  }
0xb7: {  	s30 =	sld [smem:$0x0];
	_ =	sdelay $0x2  }
0xb8: {  	s31 =	sshll.u32 s1, $0xD;
	s1 =	sshrl.u32 s1, $0x2  }
0xb9: {  	s3 =	sand.u32 $0x4000, s31;
	s1 =	sadd.s32 s1, s30  }
0xba: {  	s0 =	sor.u32 s3, s0;
	s1 =	sshll.u32 s1, $0x11  }
0xbb: {  	s0 =	sor.u32 s1, s0  }
0xbc: {  	s0 =	sadd.s32 $0x8F2B, s0  }
0xbd: {  	[sflag:s0] =	ssyncadd.remote.s32 $0x1  }
0xbe: {  	_ =	sfence.sel $0xFFFF  }
0xbf: {  	[dreg:$0x0] =	wrdreg $0xFFFFFFFF;
	(pc) =	sbr.abs _section_cstart, $3  }
0xc0: {  	[dreg:$0x1] =	wrdreg $0xFFFFFFFF  }
0xc1: {  	_ =	task.clear_ibuf [dreg:s6], $0x2FFFF;
	_ =	strace $0x9FFFFFFF  }
0xc2: {  	(tm) =	ssettm $0x7FFFFFFF  }
0xc3: {  	_ =	shalt  }
tec
execute0_lowered:
.L_overlay_start_1:
0x0: {  	(tag) =	ssettag $0x1  }
0x1: {  	s0 =	srdreg.scid;
	s7 =	rddreg [dreg:$0x0]  }
0x2: {  	s2 =	rddreg [dreg:$0x1];
	s6 =	sand.u32 $0x1, s0;
	s0 =	stileid.u32  }
0x3: {  	s3 =	simm.s32 $0x0;
	s13 =	simm.s32 $0x80;
	s8 =	smul.u32 $0x2780, s0  }
0x4: {  	s14 =	simm.s32 $0x0;
	[smem:$0x7FF] =	sst s3;
	s9 =	smul.u32 $0x27800, s6  }
0x5: {  	s5 =	sadd.s32 $0xD000, s7;
	s1 =	sshll.u32 s6, $0x4;
	s11 =	smul.u32 $0x4F000, s0  }
0x6: {  	s6 =	ssub.s32 $0x2, s6;
	s31 =	sshll.u32 s0, $0x6;
	s4 =	sor.u32 s0, s1  }
0x7: {  	s1 =	rddreg [dreg:$0x2];
	_ =	strace $0x80000047;
	s28 =	sshrl.u32 s6, $0x1  }
0x8: {  	s4 =	smul.u32 $0x500, s4;
	s8 =	sadd.s32 s8, s9;
	s29 =	sshrl.u32 s11, $0x2  }
0x9: {  	s30 =	ssub.s32 s6, s28;
	s6 =	sor.u32 $0x1C01, s31;
	s11 =	simm.s32 $0x1  }
0xa: {  	s8 =	sadd.s32 s8, s7;
	s12 =	sadd.s32 s29, s2;
	s9 =	smax.u32 s30, $0x1  }
0xb: {  	s10 =	sadd.s32 s4, s7;
	s4 =	sadd.s32 $0xF800, s7;
	s8 =	sadd.s32 $0x10000, s8  }
0xc: {  	s7 =	sadd.s32 $0x3000, s10;
	s10 =	sshrl.u32 s12, $0x3;
	s12 =	simm.s32 $0x2800  }
.LBB2_1:
0xd: {  	[spmem:s10], [sflag:s6] =	dma.local [hbm:s5], $0x2780  }
0xe: {  	_ =	swait.ge [sflag:s11], $0x2780  }
0xf: {  	[sflag:s11] =	ssyncset.done $0x0  }
0x10: {  	[sflag:s11] =	ssyncadd.s32 $0xFFFFD880  }
0x11: {  	[tilespmem:s12], [sflag:$0x1] =	stream.linear.gather [hbm4b:s4+s3], $0x4000, $0x38;
	[tilespmem:$0x1A400] =	vst v63  }
0x12: {  	_ =	swait.ge [sflag:s11], $0x4000  }
0x13: {  	[sflag:s11] =	ssyncset.done $0x0  }
0x14: {  	[sflag:s11] =	ssyncadd.s32 $0xFFFFC000  }
0x15: {  	[tilespmem:s3], [sflag:$0x1] =	stream.linear.gather [hbm4b:s7+s3], $0x2780, $0x38;
	[tilespmem:$0x1A400] =	vst v63  }
0x16: {  	_ =	swait.ge [sflag:s11], $0x2780  }
0x17: {  	[sflag:s11] =	ssyncset.done $0x0  }
0x18: {  	[sflag:s11] =	ssyncadd.s32 $0xFFFFD880  }
0x19: {  	s15 =	simm.s32 $0x0;
	[bflag:$0x0] =	sbarrier.arrive $0xFFFF  }
0x1a: {  	[spmem:s2] =	stream.indirect.scatter.add.f32 [tilespmem:s12], [sflag:$0x1], $0x80, s15, s13, $0xb8;
	[tilespmem:$0x1A400] =	vst v63  }
0x1b: {  	_ =	swait.ge [sflag:s11], $0x4000  }
0x1c: {  	s15 =	simm.s32 $0x200;
	[sflag:s11] =	ssyncset.done $0x0  }
.LBB2_2:
0x1d: {  	s16 =	sshra.s32 s15, $0x2;
	[sflag:s11] =	ssyncadd.s32 $0xFFFFC000;
	p0 =	sne.s32 s15, $0x9C00  }
0x1e: {  	[spmem:s2] =	stream.indirect.scatter.add.f32 [tilespmem:s12], [sflag:$0x1], $0x80, s16, s13, $0xb8;
	[tilespmem:$0x1A400] =	vst v63  }
.Ltmp0:
0x1f: {  	_ = 	snop;
	(pc) =	sbr.rel @p0 .LBB2_2-.Ltmp0, $4  }
0x20: {  	_ = 	snop  }
0x21: {  	s15 =	sadd.s32 $0x200, s15  }
0x22: {  	_ =	swait.ge [sflag:s11], $0x4000  }
0x23: {  	[sflag:s11] =	ssyncset.done $0x0  }
0x24: {  	s14 =	sadd.s32 $0x1, s14  }
0x25: {  	[sflag:s11] =	ssyncadd.s32 $0xFFFFC000;
	p0 =	sne.s32 s14, s9  }
.Ltmp1:
0x26: {  	[bflag:$0x0] =	sbarrier.arrive $0xFFFF;
	(pc) =	sbr.rel @p0 .LBB2_1-.Ltmp1, $4  }
0x27: {  	[hbm:s8], [sflag:s6] =	dma.local [spmem:s10], $0x2780  }
0x28: {  	_ =	swait.ge [sflag:s11], $0x2780  }
0x29: {  	[sflag:s11] =	ssyncset.done $0x0  }
0x2a: {  	[sflag:s11] =	ssyncadd.s32 $0xFFFFD880  }
0x2b: {  	_ =	sfence.sel $0x180000  }
0x2c: {  	[bflag:$0x0] =	sbarrier.arrive $0xFFFF  }
0x2d: {  	p0 =	sne.s32 s0, $0x0;
	_ =	strace $0x90000047  }
0x2e: {  	s0 =	sadd.s32 @!p0 $0x100000, s1;
	[bflag:$0x2] =	sbarrier.arrive $0xFFFF  }
0x2f: {  	[sflag:s0] =	ssyncadd.tile.s32 @!p0 $0x1;
	_ =	shalt  }
.Lfunc_end2:
_tile_overlayer_lowered:
.L_overlay_start_2:
0x30: {  	(tag) =	ssettag $0x2  }
0x31: {  	s0 =	rddreg [dreg:$0x0];
	s2 =	stileid.u32  }
0x32: {  	s1 =	rddreg [dreg:$0x1];
	p0 =	sne.s32 s2, $0x0  }
0x33: {  	s3 =	rddreg [dreg:$0x2];
	[bflag:$0x3] =	sbarrier.arrive $0xFFFF;
	s2 =	simm.s32 @!p0 $0x1C01  }
0x34: {  	[timem:s3], [sflag:s2] =	dma.local @!p0 [hbm:s0], s1  }
0x35: {  	s0 =	simm.s32 @!p0 $0x1  }
0x36: {  	_ =	swait.ge @!p0 [sflag:s0], s1  }
0x37: {  	s1 =	ssub.s32 @!p0 $0x0, s1;
	[sflag:s0] =	ssyncset.done @!p0 $0x0  }
0x38: {  	[sflag:s0] =	ssyncadd.s32 @!p0 s1  }
0x39: {  	[bflag:$0x3] =	sbarrier.arrive $0xFFFF  }
0x3a: {  	_ =	shalt  }

</sc_bundles>
